<compile_context>
chip_gen: v7x
topology: tpu7x:2x2x1
jax: 0.10.2.dev20260603
libtpu: 0.0.44.dev20260713+nightly
codegen_flags: <defaults>
</compile_context>

<pallas_src>
import functools

import jax
import jax.numpy as jnp
from jax import lax
from jax.experimental import pallas as pl
from jax.experimental.pallas import tpu as pltpu
from jax.experimental.pallas import tpu_sc as plsc

N = 10000
E = 320000
D = 128
G = 64

NC = 2
NS = 16
NW = NC * NS
CL = 128
CW = 80
IB = 16
NB = CW // IB
EPAD = NW * CW * CL
RPT = 632
NPAD = NS * RPT
RB = 2000

CB = 8

_mesh = plsc.VectorSubcoreMesh(core_axis_name="c", subcore_axis_name="s")


def _seg_sum_sc(xp, src3, dst3, with_counts=False):
    out_type = [jax.ShapeDtypeStruct((NC, NPAD, D), jnp.float32)]
    scratch = [
        pltpu.VMEM((2, IB, CL), jnp.int32),
        pltpu.VMEM((2, IB, CL), jnp.int32),
        pltpu.VMEM((CL, D), jnp.float32),
        pltpu.VMEM((CL, D), jnp.float32),
        pltpu.VMEM_SHARED((NPAD, D), jnp.float32),
        pltpu.SemaphoreType.DMA,
        pltpu.SemaphoreType.DMA,
        pltpu.SemaphoreType.DMA,
        pltpu.SemaphoreType.DMA,
    ]
    if with_counts:
        out_type.append(jax.ShapeDtypeStruct((NC, NPAD, CB), jnp.float32))
        scratch += [
            pltpu.VMEM((CL, CB), jnp.float32),
            pltpu.VMEM_SHARED((NPAD, CB), jnp.float32),
            pltpu.SemaphoreType.DMA,
        ]

    def body(x_hbm, src_hbm, dst_hbm, *rest):
        if with_counts:
            (ones_hbm, zeros_hbm, out_hbm, cnt_hbm, src_r, dst_r, rows_a,
             rows_b, acc_s, sem_a, sem_b, sem_is, sem_id,
             ones_v, cacc_s, sem_c) = rest
        else:
            (out_hbm, src_r, dst_r, rows_a, rows_b,
             acc_s, sem_a, sem_b, sem_is, sem_id) = rest
        c = lax.axis_index("c")
        s = lax.axis_index("s")
        wid = s * NC + c

        pltpu.sync_copy(src_hbm.at[wid, pl.ds(0, IB)], src_r.at[0])
        pltpu.sync_copy(dst_hbm.at[wid, pl.ds(0, IB)], dst_r.at[0])

        @pl.loop(0, CL)
        def _(r):
            @pl.loop(0, D // 16)
            def _(k):
                rows_a[r, pl.ds(k * 16, 16)] = jnp.zeros((16,), jnp.float32)

        base = s * RPT
        for kk in range(RPT // CL):
            pltpu.sync_copy(rows_a, acc_s.at[pl.ds(base + kk * CL, CL)])
        rem = RPT % CL
        if rem:
            pltpu.sync_copy(rows_a.at[pl.ds(0, rem)],
                            acc_s.at[pl.ds(base + RPT - rem, rem)])
        if with_counts:
            pltpu.sync_copy(ones_hbm, ones_v)
            pltpu.sync_copy(zeros_hbm.at[pl.ds(base, RPT)],
                            cacc_s.at[pl.ds(base, RPT)])
        plsc.subcore_barrier()

        @pl.loop(0, NB)
        def _(b):
            sb = b % 2

            @pl.when(b + 1 < NB)
            def _():
                pltpu.async_copy(src_hbm.at[wid, pl.ds((b + 1) * IB, IB)],
                                 src_r.at[1 - sb], sem_is)
                pltpu.async_copy(dst_hbm.at[wid, pl.ds((b + 1) * IB, IB)],
                                 dst_r.at[1 - sb], sem_id)

            pltpu.async_copy(x_hbm.at[src_r.at[sb, 0]], rows_a, sem_a)

            @pl.loop(0, IB // 2)
            def _(m):
                j = m * 2
                db = pltpu.async_copy(x_hbm.at[src_r.at[sb, j + 1]],
                                     rows_b, sem_b)
                pltpu.make_async_copy(x_hbm.at[src_r.at[sb, j]],
                                      rows_a, sem_a).wait()
                pltpu.sync_copy(rows_a, acc_s.at[dst_r.at[sb, j]], add=True)

                @pl.when(j + 2 < IB)
                def _():
                    pltpu.async_copy(x_hbm.at[src_r.at[sb, j + 2]],
                                     rows_a, sem_a)

                if with_counts:
                    pltpu.async_copy(ones_v, cacc_s.at[dst_r.at[sb, j]],
                                     sem_c, add=True)
                db.wait()
                pltpu.sync_copy(rows_b, acc_s.at[dst_r.at[sb, j + 1]], add=True)
                if with_counts:
                    pltpu.async_copy(ones_v, cacc_s.at[dst_r.at[sb, j + 1]],
                                     sem_c, add=True)

            if with_counts:
                @pl.loop(0, IB)
                def _(_):
                    pltpu.make_async_copy(
                        ones_v, cacc_s.at[dst_r.at[sb, 0]], sem_c).wait()

            @pl.when(b + 1 < NB)
            def _():
                pltpu.make_async_copy(src_hbm.at[wid, pl.ds(0, IB)],
                                      src_r.at[0], sem_is).wait()
                pltpu.make_async_copy(dst_hbm.at[wid, pl.ds(0, IB)],
                                      dst_r.at[0], sem_id).wait()

        plsc.subcore_barrier()
        pltpu.sync_copy(acc_s.at[pl.ds(base, RPT)],
                        out_hbm.at[c, pl.ds(base, RPT)])
        if with_counts:
            pltpu.sync_copy(cacc_s.at[pl.ds(base, RPT)],
                            cnt_hbm.at[c, pl.ds(base, RPT)])

    cp = (pltpu.CompilerParams(use_tc_tiling_on_sc=False)
          if with_counts else None)
    k = pl.kernel(body,
                  out_type=tuple(out_type) if with_counts else out_type[0],
                  mesh=_mesh, scratch_types=scratch, compiler_params=cp)
    if with_counts:
        return k(xp, src3, dst3, jnp.ones((CL, CB), jnp.float32),
                 jnp.zeros((NPAD, CB), jnp.float32))
    return k(xp, src3, dst3)


_DOT = functools.partial(lax.dot_general,
                         dimension_numbers=(((1,), (0,)), ((), ())),
                         preferred_element_type=jnp.float32,
                         precision=lax.Precision.HIGHEST)


def _linear_body(x_ref, w_ref, b1_ref, b2_ref, o_ref):
    o_ref[...] = _DOT(x_ref[...], w_ref[...]) + b1_ref[...] + b2_ref[...]


def _tc_linear(xp, W, b1, b2):
    grid = (N // RB,)
    return pl.pallas_call(
        _linear_body,
        grid=grid,
        in_specs=[
            pl.BlockSpec((RB, D), lambda i: (i, 0)),
            pl.BlockSpec((D, D), lambda i: (0, 0)),
            pl.BlockSpec((1, D), lambda i: (0, 0)),
            pl.BlockSpec((1, D), lambda i: (0, 0)),
        ],
        out_specs=pl.BlockSpec((RB, D), lambda i: (i, 0)),
        out_shape=jax.ShapeDtypeStruct((N, D), jnp.float32),
    )(xp, W, b1.reshape(1, D), b2.reshape(1, D))


def _combine_body(sa_ref, sb_ref, ca_ref, cb_ref, xr_ref, w_ref, o_ref):
    cnt = jnp.maximum(ca_ref[...] + cb_ref[...], 1.0)
    neigh = (sa_ref[...] + sb_ref[...]) / cnt
    o_ref[...] = jnp.maximum(_DOT(neigh, w_ref[...]) + xr_ref[...], 0.0)


def _tc_combine(Sa, Sb, ca, cb, xr, W_l):
    grid = (N // RB,)
    return pl.pallas_call(
        _combine_body,
        grid=grid,
        in_specs=[
            pl.BlockSpec((RB, D), lambda i: (i, 0)),
            pl.BlockSpec((RB, D), lambda i: (i, 0)),
            pl.BlockSpec((RB, 1), lambda i: (i, 0)),
            pl.BlockSpec((RB, 1), lambda i: (i, 0)),
            pl.BlockSpec((RB, D), lambda i: (i, 0)),
            pl.BlockSpec((D, D), lambda i: (0, 0)),
        ],
        out_specs=pl.BlockSpec((RB, D), lambda i: (i, 0)),
        out_shape=jax.ShapeDtypeStruct((N, D), jnp.float32),
    )(Sa, Sb, ca, cb, xr, W_l)


def _combine_readout_body(sa_ref, sb_ref, ca_ref, cb_ref, xr_ref, w_ref,
                          b_ref, o_ref, acc_ref, cnt_ref):
    i = pl.program_id(0)

    @pl.when(i == 0)
    def _():
        acc_ref[...] = jnp.zeros_like(acc_ref)
        cnt_ref[...] = jnp.zeros_like(cnt_ref)

    cnt = jnp.maximum(ca_ref[...] + cb_ref[...], 1.0)
    neigh = (sa_ref[...] + sb_ref[...]) / cnt
    h2 = jnp.maximum(_DOT(neigh, w_ref[...]) + xr_ref[...], 0.0)

    oh = (b_ref[...] == lax.broadcasted_iota(jnp.int32, (RB, G), 1))
    ohf = oh.astype(jnp.float32)
    acc_ref[...] += lax.dot_general(
        ohf, h2, dimension_numbers=(((0,), (0,)), ((), ())),
        preferred_element_type=jnp.float32, precision=lax.Precision.HIGHEST)
    cnt_ref[...] += jnp.broadcast_to(
        jnp.sum(ohf, axis=0).reshape(G, 1), (G, D))

    @pl.when(i == N // RB - 1)
    def _():
        o_ref[...] = acc_ref[...] / jnp.maximum(cnt_ref[...], 1.0)


def _tc_combine_readout(Sa, Sb, ca, cb, xr, W_l, batch_2d):
    grid = (N // RB,)
    return pl.pallas_call(
        _combine_readout_body,
        grid=grid,
        in_specs=[
            pl.BlockSpec((RB, D), lambda i: (i, 0)),
            pl.BlockSpec((RB, D), lambda i: (i, 0)),
            pl.BlockSpec((RB, 1), lambda i: (i, 0)),
            pl.BlockSpec((RB, 1), lambda i: (i, 0)),
            pl.BlockSpec((RB, D), lambda i: (i, 0)),
            pl.BlockSpec((D, D), lambda i: (0, 0)),
            pl.BlockSpec((RB, 1), lambda i: (i, 0)),
        ],
        out_specs=pl.BlockSpec((G, D), lambda i: (0, 0)),
        out_shape=jax.ShapeDtypeStruct((G, D), jnp.float32),
        scratch_shapes=[pltpu.VMEM((G, D), jnp.float32),
                        pltpu.VMEM((G, D), jnp.float32)],
    )(Sa, Sb, ca, cb, xr, W_l, batch_2d)


def kernel(x, edge_index, batch, W_l0, b_l0, W_r0, b_r0, W_l1, b_l1, W_r1, b_r1):
    pad_e = EPAD - E
    ar = jnp.arange(pad_e, dtype=jnp.int32)
    src_pad = jnp.concatenate([edge_index[0], ar % N])
    dst_pad = jnp.concatenate([edge_index[1], N + ar % (NPAD - N)])
    src3 = src_pad.reshape(NW, CW, CL)
    dst3 = dst_pad.reshape(NW, CW, CL)
    batch_2d = batch.reshape(N, 1)

    S0, cnt = _seg_sum_sc(x, src3, dst3, with_counts=True)
    ca = cnt[0, :, 0:1]
    cb = cnt[1, :, 0:1]
    xr0 = _tc_linear(x, W_r0, b_l0, b_r0)
    h = _tc_combine(S0[0], S0[1], ca, cb, xr0, W_l0)

    S1 = _seg_sum_sc(h, src3, dst3)
    hr1 = _tc_linear(h, W_r1, b_l1, b_r1)
    return _tc_combine_readout(S1[0], S1[1], ca, cb, hr1, W_l1, batch_2d)

# --- scband reference (transcript-rebuilt; emitter-appended) ---
"""Pipeline reference for scband-graph-encoder-64673617543327 (READ-ONLY COPY).

The authoritative reference and input builder live on the scoring server;
editing this copy changes nothing except your own understanding.
"""

import jax, jax.numpy as jnp
import numpy as np

N = 10000
E = 320000
D = 128
H = 128
G = 64


def setup_inputs(seed: int = 0) -> dict:
    key = jax.random.key(seed)
    ks = jax.random.split(key, 12)
    x = jax.random.normal(ks[0], (N, D), dtype=jnp.float32)
    edge_index = jax.random.randint(ks[1], (2, E), 0, N, dtype=jnp.int32)
    batch = jnp.sort(jax.random.randint(ks[2], (N,), 0, G, dtype=jnp.int32))
    s_in = 1.0 / np.sqrt(D)
    s_hid = 1.0 / np.sqrt(H)
    W_l0 = jax.random.uniform(ks[3], (D, H), jnp.float32, -s_in, s_in)
    b_l0 = jax.random.uniform(ks[4], (H,), jnp.float32, -s_in, s_in)
    W_r0 = jax.random.uniform(ks[5], (D, H), jnp.float32, -s_in, s_in)
    b_r0 = jax.random.uniform(ks[6], (H,), jnp.float32, -s_in, s_in)
    W_l1 = jax.random.uniform(ks[7], (H, H), jnp.float32, -s_hid, s_hid)
    b_l1 = jax.random.uniform(ks[8], (H,), jnp.float32, -s_hid, s_hid)
    W_r1 = jax.random.uniform(ks[9], (H, H), jnp.float32, -s_hid, s_hid)
    b_r1 = jax.random.uniform(ks[10], (H,), jnp.float32, -s_hid, s_hid)
    return {
        "x": x, "edge_index": edge_index, "batch": batch,
        "W_l0": W_l0, "b_l0": b_l0, "W_r0": W_r0, "b_r0": b_r0,
        "W_l1": W_l1, "b_l1": b_l1, "W_r1": W_r1, "b_r1": b_r1,
    }


def _sage_conv(x, edge_index, W_l, b_l, W_r, b_r):
    src = edge_index[0]
    dst = edge_index[1]
    msgs = jnp.take(x, src, axis=0)
    summed = jax.ops.segment_sum(msgs, dst, num_segments=N)
    cnt = jax.ops.segment_sum(jnp.ones((edge_index.shape[1], 1), x.dtype), dst, num_segments=N)
    neigh = summed / jnp.maximum(cnt, 1.0)
    return neigh @ W_l + b_l + x @ W_r + b_r


def reference(x, edge_index, batch, W_l0, b_l0, W_r0, b_r0, W_l1, b_l1, W_r1, b_r1):
    h = _sage_conv(x, edge_index, W_l0, b_l0, W_r0, b_r0)
    h = jax.nn.relu(h)
    # dropout p=0.0 -> identity
    h = _sage_conv(h, edge_index, W_l1, b_l1, W_r1, b_r1)
    h = jax.nn.relu(h)
    # readout == 'mean' -> global mean pool over batch ids
    sums = jax.ops.segment_sum(h, batch, num_segments=G)
    counts = jax.ops.segment_sum(jnp.ones((h.shape[0], 1), h.dtype), batch, num_segments=G)
    g = sums / jnp.maximum(counts, 1.0)
    return g

if __name__ == "__main__":
    import jax
    _d = setup_inputs()
    print(jax.jit(kernel)(*tuple(_d.values())))

</pallas_src>

<mosaic_0001>
#map = affine_map<(d0, d1) -> (0, 0)>
#map1 = affine_map<(d0, d1) -> (0, 0, 0)>
module attributes {stable_mosaic.version = 14 : i64} {
  func.func @body(%arg0: i32, %arg1: i32, %arg2: memref<10000x128xf32, #tpu.memory_space<hbm>>, %arg3: memref<32x80x128xi32, #tpu.memory_space<hbm>>, %arg4: memref<32x80x128xi32, #tpu.memory_space<hbm>>, %arg5: memref<128x8xf32, #tpu.memory_space<hbm>>, %arg6: memref<10112x8xf32, #tpu.memory_space<hbm>>, %arg7: memref<2x10112x128xf32, #tpu.memory_space<hbm>>, %arg8: memref<2x10112x8xf32, #tpu.memory_space<hbm>>, %arg9: memref<2x16x128xi32, #tpu.memory_space<vmem>>, %arg10: memref<2x16x128xi32, #tpu.memory_space<vmem>>, %arg11: memref<128x128xf32, #tpu.memory_space<vmem>>, %arg12: memref<128x128xf32, #tpu.memory_space<vmem>>, %arg13: memref<10112x128xf32, #tpu.memory_space<vmem_shared>>, %arg14: memref<!tpu.dma_semaphore, #tpu.memory_space<semaphore_mem>>, %arg15: memref<!tpu.dma_semaphore, #tpu.memory_space<semaphore_mem>>, %arg16: memref<!tpu.dma_semaphore, #tpu.memory_space<semaphore_mem>>, %arg17: memref<!tpu.dma_semaphore, #tpu.memory_space<semaphore_mem>>, %arg18: memref<128x8xf32, #tpu.memory_space<vmem>>, %arg19: memref<10112x8xf32, #tpu.memory_space<vmem_shared>>, %arg20: memref<!tpu.dma_semaphore, #tpu.memory_space<semaphore_mem>>) attributes {dimension_semantics = [#tpu.dimension_semantics<core_parallel>, #tpu.dimension_semantics<subcore_parallel>], iteration_bounds = array<i64: 2, 16>, scalar_prefetch = 0 : i64, scratch_operands = 12 : i64, tpu.core_type = #tpu.core_type<sc_vector_subcore>, window_params = [{transform_indices = #map}, {transform_indices = #map1}, {transform_indices = #map1}, {transform_indices = #map}, {transform_indices = #map}, {transform_indices = #map1}, {transform_indices = #map1}]} {
    %mul3A = arith.constant 2 : i32
    %mul3A_0 = arith.muli %arg1, %mul3A : i32
    %add3A = arith.addi %mul3A_0, %arg0 : i32
    %run_scoped3A = arith.constant 0 : i32
    "tpu.region"() ({
      %run_scoped3A_25 = tpu.sem_alloc : memref<!tpu.dma_semaphore, #tpu.memory_space<semaphore_mem>>
      %dma_start3A = arith.constant 0 : i32
      %dma_start3A_26 = arith.constant 0 : i32
      %dma_start3A_27 = tpu.memref_slice %arg9[%run_scoped3A, %dma_start3A, %dma_start3A_26] : memref<2x16x128xi32, #tpu.memory_space<vmem>> -> memref<1x16x128xi32, #tpu.memory_space<vmem>>
      %dma_start3A_28 = tpu.memref_squeeze %dma_start3A_27 : memref<1x16x128xi32, #tpu.memory_space<vmem>> -> memref<16x128xi32, #tpu.memory_space<vmem>>
      %dma_start3A_29 = arith.constant 0 : i32
      %dma_start3A_30 = arith.constant 0 : i32
      %dma_start3A_31 = tpu.memref_slice %arg3[%add3A, %dma_start3A_29, %dma_start3A_30] : memref<32x80x128xi32, #tpu.memory_space<hbm>> -> memref<1x16x128xi32, #tpu.memory_space<hbm>>
      %dma_start3A_32 = tpu.memref_squeeze %dma_start3A_31 : memref<1x16x128xi32, #tpu.memory_space<hbm>> -> memref<16x128xi32, #tpu.memory_space<hbm>>
      %dma_start3A_33 = arith.constant 0 : i32
      %dma_start3A_34 = arith.constant 0 : i32
      %dma_start3A_35 = tpu.memref_slice %arg9[%run_scoped3A, %dma_start3A_33, %dma_start3A_34] : memref<2x16x128xi32, #tpu.memory_space<vmem>> -> memref<1x16x128xi32, #tpu.memory_space<vmem>>
      %dma_start3A_36 = tpu.memref_squeeze %dma_start3A_35 : memref<1x16x128xi32, #tpu.memory_space<vmem>> -> memref<16x128xi32, #tpu.memory_space<vmem>>
      %dma_start3A_37 = arith.constant 0 : i32
      %dma_start3A_38 = arith.constant 0 : i32
      %dma_start3A_39 = tpu.memref_slice %arg3[%add3A, %dma_start3A_37, %dma_start3A_38] : memref<32x80x128xi32, #tpu.memory_space<hbm>> -> memref<1x16x128xi32, #tpu.memory_space<hbm>>
      %dma_start3A_40 = tpu.memref_squeeze %dma_start3A_39 : memref<1x16x128xi32, #tpu.memory_space<hbm>> -> memref<16x128xi32, #tpu.memory_space<hbm>>
      tpu.enqueue_dma source(%dma_start3A_40 : memref<16x128xi32, #tpu.memory_space<hbm>>) target(%dma_start3A_36 : memref<16x128xi32, #tpu.memory_space<vmem>>) target_semaphore(%run_scoped3A_25 : memref<!tpu.dma_semaphore, #tpu.memory_space<semaphore_mem>>)
      %dma_wait3A = arith.constant 0 : i32
      %dma_wait3A_41 = arith.constant 0 : i32
      %dma_wait3A_42 = tpu.memref_slice %arg9[%run_scoped3A, %dma_wait3A, %dma_wait3A_41] : memref<2x16x128xi32, #tpu.memory_space<vmem>> -> memref<1x16x128xi32, #tpu.memory_space<vmem>>
      %dma_wait3A_43 = tpu.memref_squeeze %dma_wait3A_42 : memref<1x16x128xi32, #tpu.memory_space<vmem>> -> memref<16x128xi32, #tpu.memory_space<vmem>>
      %dma_wait3A_44 = arith.constant 0 : i32
      %dma_wait3A_45 = arith.constant 0 : i32
      %dma_wait3A_46 = tpu.memref_slice %arg3[%add3A, %dma_wait3A_44, %dma_wait3A_45] : memref<32x80x128xi32, #tpu.memory_space<hbm>> -> memref<1x16x128xi32, #tpu.memory_space<hbm>>
      %dma_wait3A_47 = tpu.memref_squeeze %dma_wait3A_46 : memref<1x16x128xi32, #tpu.memory_space<hbm>> -> memref<16x128xi32, #tpu.memory_space<hbm>>
      %dma_wait3A_48 = arith.constant 0 : i32
      %dma_wait3A_49 = arith.constant 0 : i32
      %dma_wait3A_50 = tpu.memref_slice %arg9[%run_scoped3A, %dma_wait3A_48, %dma_wait3A_49] : memref<2x16x128xi32, #tpu.memory_space<vmem>> -> memref<1x16x128xi32, #tpu.memory_space<vmem>>
      %dma_wait3A_51 = tpu.memref_squeeze %dma_wait3A_50 : memref<1x16x128xi32, #tpu.memory_space<vmem>> -> memref<16x128xi32, #tpu.memory_space<vmem>>
      %dma_wait3A_52 = arith.constant 0 : i32
      %dma_wait3A_53 = arith.constant 0 : i32
      %dma_wait3A_54 = tpu.memref_slice %arg3[%add3A, %dma_wait3A_52, %dma_wait3A_53] : memref<32x80x128xi32, #tpu.memory_space<hbm>> -> memref<1x16x128xi32, #tpu.memory_space<hbm>>
      %dma_wait3A_55 = tpu.memref_squeeze %dma_wait3A_54 : memref<1x16x128xi32, #tpu.memory_space<hbm>> -> memref<16x128xi32, #tpu.memory_space<hbm>>
      tpu.wait_dma2 semaphore(%run_scoped3A_25 : memref<!tpu.dma_semaphore, #tpu.memory_space<semaphore_mem>>) src(%dma_wait3A_55 : memref<16x128xi32, #tpu.memory_space<hbm>>) dst(%dma_wait3A_51 : memref<16x128xi32, #tpu.memory_space<vmem>>)
      tpu.yield
    }) : () -> ()
    %run_scoped3A_1 = arith.constant 0 : i32
    "tpu.region"() ({
      %run_scoped3A_25 = tpu.sem_alloc : memref<!tpu.dma_semaphore, #tpu.memory_space<semaphore_mem>>
      %dma_start3A = arith.constant 0 : i32
      %dma_start3A_26 = arith.constant 0 : i32
      %dma_start3A_27 = tpu.memref_slice %arg10[%run_scoped3A_1, %dma_start3A, %dma_start3A_26] : memref<2x16x128xi32, #tpu.memory_space<vmem>> -> memref<1x16x128xi32, #tpu.memory_space<vmem>>
      %dma_start3A_28 = tpu.memref_squeeze %dma_start3A_27 : memref<1x16x128xi32, #tpu.memory_space<vmem>> -> memref<16x128xi32, #tpu.memory_space<vmem>>
      %dma_start3A_29 = arith.constant 0 : i32
      %dma_start3A_30 = arith.constant 0 : i32
      %dma_start3A_31 = tpu.memref_slice %arg4[%add3A, %dma_start3A_29, %dma_start3A_30] : memref<32x80x128xi32, #tpu.memory_space<hbm>> -> memref<1x16x128xi32, #tpu.memory_space<hbm>>
      %dma_start3A_32 = tpu.memref_squeeze %dma_start3A_31 : memref<1x16x128xi32, #tpu.memory_space<hbm>> -> memref<16x128xi32, #tpu.memory_space<hbm>>
      %dma_start3A_33 = arith.constant 0 : i32
      %dma_start3A_34 = arith.constant 0 : i32
      %dma_start3A_35 = tpu.memref_slice %arg10[%run_scoped3A_1, %dma_start3A_33, %dma_start3A_34] : memref<2x16x128xi32, #tpu.memory_space<vmem>> -> memref<1x16x128xi32, #tpu.memory_space<vmem>>
      %dma_start3A_36 = tpu.memref_squeeze %dma_start3A_35 : memref<1x16x128xi32, #tpu.memory_space<vmem>> -> memref<16x128xi32, #tpu.memory_space<vmem>>
      %dma_start3A_37 = arith.constant 0 : i32
      %dma_start3A_38 = arith.constant 0 : i32
      %dma_start3A_39 = tpu.memref_slice %arg4[%add3A, %dma_start3A_37, %dma_start3A_38] : memref<32x80x128xi32, #tpu.memory_space<hbm>> -> memref<1x16x128xi32, #tpu.memory_space<hbm>>
      %dma_start3A_40 = tpu.memref_squeeze %dma_start3A_39 : memref<1x16x128xi32, #tpu.memory_space<hbm>> -> memref<16x128xi32, #tpu.memory_space<hbm>>
      tpu.enqueue_dma source(%dma_start3A_40 : memref<16x128xi32, #tpu.memory_space<hbm>>) target(%dma_start3A_36 : memref<16x128xi32, #tpu.memory_space<vmem>>) target_semaphore(%run_scoped3A_25 : memref<!tpu.dma_semaphore, #tpu.memory_space<semaphore_mem>>)
      %dma_wait3A = arith.constant 0 : i32
      %dma_wait3A_41 = arith.constant 0 : i32
      %dma_wait3A_42 = tpu.memref_slice %arg10[%run_scoped3A_1, %dma_wait3A, %dma_wait3A_41] : memref<2x16x128xi32, #tpu.memory_space<vmem>> -> memref<1x16x128xi32, #tpu.memory_space<vmem>>
      %dma_wait3A_43 = tpu.memref_squeeze %dma_wait3A_42 : memref<1x16x128xi32, #tpu.memory_space<vmem>> -> memref<16x128xi32, #tpu.memory_space<vmem>>
      %dma_wait3A_44 = arith.constant 0 : i32
      %dma_wait3A_45 = arith.constant 0 : i32
      %dma_wait3A_46 = tpu.memref_slice %arg4[%add3A, %dma_wait3A_44, %dma_wait3A_45] : memref<32x80x128xi32, #tpu.memory_space<hbm>> -> memref<1x16x128xi32, #tpu.memory_space<hbm>>
      %dma_wait3A_47 = tpu.memref_squeeze %dma_wait3A_46 : memref<1x16x128xi32, #tpu.memory_space<hbm>> -> memref<16x128xi32, #tpu.memory_space<hbm>>
      %dma_wait3A_48 = arith.constant 0 : i32
      %dma_wait3A_49 = arith.constant 0 : i32
      %dma_wait3A_50 = tpu.memref_slice %arg10[%run_scoped3A_1, %dma_wait3A_48, %dma_wait3A_49] : memref<2x16x128xi32, #tpu.memory_space<vmem>> -> memref<1x16x128xi32, #tpu.memory_space<vmem>>
      %dma_wait3A_51 = tpu.memref_squeeze %dma_wait3A_50 : memref<1x16x128xi32, #tpu.memory_space<vmem>> -> memref<16x128xi32, #tpu.memory_space<vmem>>
      %dma_wait3A_52 = arith.constant 0 : i32
      %dma_wait3A_53 = arith.constant 0 : i32
      %dma_wait3A_54 = tpu.memref_slice %arg4[%add3A, %dma_wait3A_52, %dma_wait3A_53] : memref<32x80x128xi32, #tpu.memory_space<hbm>> -> memref<1x16x128xi32, #tpu.memory_space<hbm>>
      %dma_wait3A_55 = tpu.memref_squeeze %dma_wait3A_54 : memref<1x16x128xi32, #tpu.memory_space<hbm>> -> memref<16x128xi32, #tpu.memory_space<hbm>>
      tpu.wait_dma2 semaphore(%run_scoped3A_25 : memref<!tpu.dma_semaphore, #tpu.memory_space<semaphore_mem>>) src(%dma_wait3A_55 : memref<16x128xi32, #tpu.memory_space<hbm>>) dst(%dma_wait3A_51 : memref<16x128xi32, #tpu.memory_space<vmem>>)
      tpu.yield
    }) : () -> ()
    %scan3A = arith.constant 0 : i32
    %scan3A_2 = arith.constant 128 : i32
    %scan3A_3 = arith.addi %scan3A, %scan3A_2 : i32
    %scan3A_4 = arith.constant 1 : i32
    scf.for %scan3A_25 = %scan3A to %scan3A_3 step %scan3A_4  : i32 {
      %mul3A_26 = arith.constant 1 : i32
      %mul3A_27 = arith.muli %scan3A_25, %mul3A_26 : i32
      %add3A_28 = arith.constant 0 : i32
      %add3A_29 = arith.addi %add3A_28, %mul3A_27 : i32
      %scan3A_30 = arith.constant 0 : i32
      %scan3A_31 = arith.constant 8 : i32
      %scan3A_32 = arith.addi %scan3A_30, %scan3A_31 : i32
      %scan3A_33 = arith.constant 1 : i32
      scf.for %scan3A_35 = %scan3A_30 to %scan3A_32 step %scan3A_33  : i32 {
        %mul3A_36 = arith.constant 1 : i32
        %mul3A_37 = arith.muli %scan3A_35, %mul3A_36 : i32
        %add3A_38 = arith.constant 0 : i32
        %add3A_39 = arith.addi %add3A_38, %mul3A_37 : i32
        %broadcast_in_dim3A = arith.constant 0.000000e+00 : f32
        %broadcast_in_dim3A_40 = vector.broadcast %broadcast_in_dim3A : f32 to vector<16xf32>
        %mul3A_41 = arith.constant 16 : i32
        %mul3A_42 = arith.muli %add3A_39, %mul3A_41 : i32
        %swap3A = arith.index_cast %add3A_29 : i32 to index
        %swap3A_43 = arith.index_cast %mul3A_42 : i32 to index
        %swap3A_44 = tpu.vector_load %arg11[%swap3A, %swap3A_43] {strides = array<i32>} : memref<128x128xf32, #tpu.memory_space<vmem>>, vector<1x16xf32>,
        %swap3A_45 = vector.shape_cast %swap3A_44 : vector<1x16xf32> to vector<16xf32>
        %swap3A_46 = vector.shape_cast %broadcast_in_dim3A_40 : vector<16xf32> to vector<1x16xf32>
        tpu.vector_store %arg11[%swap3A, %swap3A_43], %swap3A_46 {strides = array<i32>} : memref<128x128xf32, #tpu.memory_space<vmem>>, vector<1x16xf32>,
      }
      %scan3A_34 = arith.constant 8 : i32
    }
    %scan3A_5 = arith.constant 128 : i32
    %mul3A_6 = arith.constant 632 : i32
    %mul3A_7 = arith.muli %arg1, %mul3A_6 : i32
    %add3A_8 = arith.constant 0 : i32
    %add3A_9 = arith.addi %mul3A_7, %add3A_8 : i32
    "tpu.region"() ({
      %run_scoped3A_25 = tpu.sem_alloc : memref<!tpu.dma_semaphore, #tpu.memory_space<semaphore_mem>>
      %dma_start3A = arith.constant 0 : i32
      %dma_start3A_26 = tpu.memref_slice %arg13[%add3A_9, %dma_start3A] : memref<10112x128xf32, #tpu.memory_space<vmem_shared>> -> memref<128x128xf32, #tpu.memory_space<vmem_shared>>
      %dma_start3A_27 = arith.constant 0 : i32
      %dma_start3A_28 = tpu.memref_slice %arg13[%add3A_9, %dma_start3A_27] : memref<10112x128xf32, #tpu.memory_space<vmem_shared>> -> memref<128x128xf32, #tpu.memory_space<vmem_shared>>
      tpu.enqueue_dma source(%arg11 : memref<128x128xf32, #tpu.memory_space<vmem>>) target(%dma_start3A_28 : memref<128x128xf32, #tpu.memory_space<vmem_shared>>) target_semaphore(%run_scoped3A_25 : memref<!tpu.dma_semaphore, #tpu.memory_space<semaphore_mem>>)
      %dma_wait3A = arith.constant 0 : i32
      %dma_wait3A_29 = tpu.memref_slice %arg13[%add3A_9, %dma_wait3A] : memref<10112x128xf32, #tpu.memory_space<vmem_shared>> -> memref<128x128xf32, #tpu.memory_space<vmem_shared>>
      %dma_wait3A_30 = arith.constant 0 : i32
      %dma_wait3A_31 = tpu.memref_slice %arg13[%add3A_9, %dma_wait3A_30] : memref<10112x128xf32, #tpu.memory_space<vmem_shared>> -> memref<128x128xf32, #tpu.memory_space<vmem_shared>>
      tpu.wait_dma2 semaphore(%run_scoped3A_25 : memref<!tpu.dma_semaphore, #tpu.memory_space<semaphore_mem>>) src(%arg11 : memref<128x128xf32, #tpu.memory_space<vmem>>) dst(%dma_wait3A_31 : memref<128x128xf32, #tpu.memory_space<vmem_shared>>)
      tpu.yield
    }) : () -> ()
    %add3A_10 = arith.constant 128 : i32
    %add3A_11 = arith.addi %mul3A_7, %add3A_10 : i32
    "tpu.region"() ({
      %run_scoped3A_25 = tpu.sem_alloc : memref<!tpu.dma_semaphore, #tpu.memory_space<semaphore_mem>>
      %dma_start3A = arith.constant 0 : i32
      %dma_start3A_26 = tpu.memref_slice %arg13[%add3A_11, %dma_start3A] : memref<10112x128xf32, #tpu.memory_space<vmem_shared>> -> memref<128x128xf32, #tpu.memory_space<vmem_shared>>
      %dma_start3A_27 = arith.constant 0 : i32
      %dma_start3A_28 = tpu.memref_slice %arg13[%add3A_11, %dma_start3A_27] : memref<10112x128xf32, #tpu.memory_space<vmem_shared>> -> memref<128x128xf32, #tpu.memory_space<vmem_shared>>
      tpu.enqueue_dma source(%arg11 : memref<128x128xf32, #tpu.memory_space<vmem>>) target(%dma_start3A_28 : memref<128x128xf32, #tpu.memory_space<vmem_shared>>) target_semaphore(%run_scoped3A_25 : memref<!tpu.dma_semaphore, #tpu.memory_space<semaphore_mem>>)
      %dma_wait3A = arith.constant 0 : i32
      %dma_wait3A_29 = tpu.memref_slice %arg13[%add3A_11, %dma_wait3A] : memref<10112x128xf32, #tpu.memory_space<vmem_shared>> -> memref<128x128xf32, #tpu.memory_space<vmem_shared>>
      %dma_wait3A_30 = arith.constant 0 : i32
      %dma_wait3A_31 = tpu.memref_slice %arg13[%add3A_11, %dma_wait3A_30] : memref<10112x128xf32, #tpu.memory_space<vmem_shared>> -> memref<128x128xf32, #tpu.memory_space<vmem_shared>>
      tpu.wait_dma2 semaphore(%run_scoped3A_25 : memref<!tpu.dma_semaphore, #tpu.memory_space<semaphore_mem>>) src(%arg11 : memref<128x128xf32, #tpu.memory_space<vmem>>) dst(%dma_wait3A_31 : memref<128x128xf32, #tpu.memory_space<vmem_shared>>)
      tpu.yield
    }) : () -> ()
    %add3A_12 = arith.constant 256 : i32
    %add3A_13 = arith.addi %mul3A_7, %add3A_12 : i32
    "tpu.region"() ({
      %run_scoped3A_25 = tpu.sem_alloc : memref<!tpu.dma_semaphore, #tpu.memory_space<semaphore_mem>>
      %dma_start3A = arith.constant 0 : i32
      %dma_start3A_26 = tpu.memref_slice %arg13[%add3A_13, %dma_start3A] : memref<10112x128xf32, #tpu.memory_space<vmem_shared>> -> memref<128x128xf32, #tpu.memory_space<vmem_shared>>
      %dma_start3A_27 = arith.constant 0 : i32
      %dma_start3A_28 = tpu.memref_slice %arg13[%add3A_13, %dma_start3A_27] : memref<10112x128xf32, #tpu.memory_space<vmem_shared>> -> memref<128x128xf32, #tpu.memory_space<vmem_shared>>
      tpu.enqueue_dma source(%arg11 : memref<128x128xf32, #tpu.memory_space<vmem>>) target(%dma_start3A_28 : memref<128x128xf32, #tpu.memory_space<vmem_shared>>) target_semaphore(%run_scoped3A_25 : memref<!tpu.dma_semaphore, #tpu.memory_space<semaphore_mem>>)
      %dma_wait3A = arith.constant 0 : i32
      %dma_wait3A_29 = tpu.memref_slice %arg13[%add3A_13, %dma_wait3A] : memref<10112x128xf32, #tpu.memory_space<vmem_shared>> -> memref<128x128xf32, #tpu.memory_space<vmem_shared>>
      %dma_wait3A_30 = arith.constant 0 : i32
      %dma_wait3A_31 = tpu.memref_slice %arg13[%add3A_13, %dma_wait3A_30] : memref<10112x128xf32, #tpu.memory_space<vmem_shared>> -> memref<128x128xf32, #tpu.memory_space<vmem_shared>>
      tpu.wait_dma2 semaphore(%run_scoped3A_25 : memref<!tpu.dma_semaphore, #tpu.memory_space<semaphore_mem>>) src(%arg11 : memref<128x128xf32, #tpu.memory_space<vmem>>) dst(%dma_wait3A_31 : memref<128x128xf32, #tpu.memory_space<vmem_shared>>)
      tpu.yield
    }) : () -> ()
    %add3A_14 = arith.constant 384 : i32
    %add3A_15 = arith.addi %mul3A_7, %add3A_14 : i32
    "tpu.region"() ({
      %run_scoped3A_25 = tpu.sem_alloc : memref<!tpu.dma_semaphore, #tpu.memory_space<semaphore_mem>>
      %dma_start3A = arith.constant 0 : i32
      %dma_start3A_26 = tpu.memref_slice %arg13[%add3A_15, %dma_start3A] : memref<10112x128xf32, #tpu.memory_space<vmem_shared>> -> memref<128x128xf32, #tpu.memory_space<vmem_shared>>
      %dma_start3A_27 = arith.constant 0 : i32
      %dma_start3A_28 = tpu.memref_slice %arg13[%add3A_15, %dma_start3A_27] : memref<10112x128xf32, #tpu.memory_space<vmem_shared>> -> memref<128x128xf32, #tpu.memory_space<vmem_shared>>
      tpu.enqueue_dma source(%arg11 : memref<128x128xf32, #tpu.memory_space<vmem>>) target(%dma_start3A_28 : memref<128x128xf32, #tpu.memory_space<vmem_shared>>) target_semaphore(%run_scoped3A_25 : memref<!tpu.dma_semaphore, #tpu.memory_space<semaphore_mem>>)
      %dma_wait3A = arith.constant 0 : i32
      %dma_wait3A_29 = tpu.memref_slice %arg13[%add3A_15, %dma_wait3A] : memref<10112x128xf32, #tpu.memory_space<vmem_shared>> -> memref<128x128xf32, #tpu.memory_space<vmem_shared>>
      %dma_wait3A_30 = arith.constant 0 : i32
      %dma_wait3A_31 = tpu.memref_slice %arg13[%add3A_15, %dma_wait3A_30] : memref<10112x128xf32, #tpu.memory_space<vmem_shared>> -> memref<128x128xf32, #tpu.memory_space<vmem_shared>>
      tpu.wait_dma2 semaphore(%run_scoped3A_25 : memref<!tpu.dma_semaphore, #tpu.memory_space<semaphore_mem>>) src(%arg11 : memref<128x128xf32, #tpu.memory_space<vmem>>) dst(%dma_wait3A_31 : memref<128x128xf32, #tpu.memory_space<vmem_shared>>)
      tpu.yield
    }) : () -> ()
    %add3A_16 = arith.constant 632 : i32
    %add3A_17 = arith.addi %mul3A_7, %add3A_16 : i32
    %sub3A = arith.constant 120 : i32
    %sub3A_18 = arith.subi %add3A_17, %sub3A : i32
    "tpu.region"() ({
      %run_scoped3A_25 = tpu.sem_alloc : memref<!tpu.dma_semaphore, #tpu.memory_space<semaphore_mem>>
      %dma_start3A = arith.constant 0 : i32
      %dma_start3A_26 = arith.constant 0 : i32
      %dma_start3A_27 = tpu.memref_slice %arg11[%dma_start3A, %dma_start3A_26] : memref<128x128xf32, #tpu.memory_space<vmem>> -> memref<120x128xf32, #tpu.memory_space<vmem>>
      %dma_start3A_28 = arith.constant 0 : i32
      %dma_start3A_29 = tpu.memref_slice %arg13[%sub3A_18, %dma_start3A_28] : memref<10112x128xf32, #tpu.memory_space<vmem_shared>> -> memref<120x128xf32, #tpu.memory_space<vmem_shared>>
      %dma_start3A_30 = arith.constant 0 : i32
      %dma_start3A_31 = tpu.memref_slice %arg13[%sub3A_18, %dma_start3A_30] : memref<10112x128xf32, #tpu.memory_space<vmem_shared>> -> memref<120x128xf32, #tpu.memory_space<vmem_shared>>
      %dma_start3A_32 = arith.constant 0 : i32
      %dma_start3A_33 = arith.constant 0 : i32
      %dma_start3A_34 = tpu.memref_slice %arg11[%dma_start3A_32, %dma_start3A_33] : memref<128x128xf32, #tpu.memory_space<vmem>> -> memref<120x128xf32, #tpu.memory_space<vmem>>
      tpu.enqueue_dma source(%dma_start3A_34 : memref<120x128xf32, #tpu.memory_space<vmem>>) target(%dma_start3A_31 : memref<120x128xf32, #tpu.memory_space<vmem_shared>>) target_semaphore(%run_scoped3A_25 : memref<!tpu.dma_semaphore, #tpu.memory_space<semaphore_mem>>)
      %dma_wait3A = arith.constant 0 : i32
      %dma_wait3A_35 = arith.constant 0 : i32
      %dma_wait3A_36 = tpu.memref_slice %arg11[%dma_wait3A, %dma_wait3A_35] : memref<128x128xf32, #tpu.memory_space<vmem>> -> memref<120x128xf32, #tpu.memory_space<vmem>>
      %dma_wait3A_37 = arith.constant 0 : i32
      %dma_wait3A_38 = tpu.memref_slice %arg13[%sub3A_18, %dma_wait3A_37] : memref<10112x128xf32, #tpu.memory_space<vmem_shared>> -> memref<120x128xf32, #tpu.memory_space<vmem_shared>>
      %dma_wait3A_39 = arith.constant 0 : i32
      %dma_wait3A_40 = tpu.memref_slice %arg13[%sub3A_18, %dma_wait3A_39] : memref<10112x128xf32, #tpu.memory_space<vmem_shared>> -> memref<120x128xf32, #tpu.memory_space<vmem_shared>>
      %dma_wait3A_41 = arith.constant 0 : i32
      %dma_wait3A_42 = arith.constant 0 : i32
      %dma_wait3A_43 = tpu.memref_slice %arg11[%dma_wait3A_41, %dma_wait3A_42] : memref<128x128xf32, #tpu.memory_space<vmem>> -> memref<120x128xf32, #tpu.memory_space<vmem>>
      tpu.wait_dma2 semaphore(%run_scoped3A_25 : memref<!tpu.dma_semaphore, #tpu.memory_space<semaphore_mem>>) src(%dma_wait3A_43 : memref<120x128xf32, #tpu.memory_space<vmem>>) dst(%dma_wait3A_40 : memref<120x128xf32, #tpu.memory_space<vmem_shared>>)
      tpu.yield
    }) : () -> ()
    "tpu.region"() ({
      %run_scoped3A_25 = tpu.sem_alloc : memref<!tpu.dma_semaphore, #tpu.memory_space<semaphore_mem>>
      tpu.enqueue_dma source(%arg5 : memref<128x8xf32, #tpu.memory_space<hbm>>) target(%arg18 : memref<128x8xf32, #tpu.memory_space<vmem>>) target_semaphore(%run_scoped3A_25 : memref<!tpu.dma_semaphore, #tpu.memory_space<semaphore_mem>>)
      tpu.wait_dma2 semaphore(%run_scoped3A_25 : memref<!tpu.dma_semaphore, #tpu.memory_space<semaphore_mem>>) src(%arg5 : memref<128x8xf32, #tpu.memory_space<hbm>>) dst(%arg18 : memref<128x8xf32, #tpu.memory_space<vmem>>)
      tpu.yield
    }) : () -> ()
    "tpu.region"() ({
      %run_scoped3A_25 = tpu.sem_alloc : memref<!tpu.dma_semaphore, #tpu.memory_space<semaphore_mem>>
      %dma_start3A = arith.constant 0 : i32
      %dma_start3A_26 = tpu.memref_slice %arg19[%mul3A_7, %dma_start3A] : memref<10112x8xf32, #tpu.memory_space<vmem_shared>> -> memref<632x8xf32, #tpu.memory_space<vmem_shared>>
      %dma_start3A_27 = arith.constant 0 : i32
      %dma_start3A_28 = tpu.memref_slice %arg6[%mul3A_7, %dma_start3A_27] : memref<10112x8xf32, #tpu.memory_space<hbm>> -> memref<632x8xf32, #tpu.memory_space<hbm>>
      tpu.enqueue_dma source(%dma_start3A_28 : memref<632x8xf32, #tpu.memory_space<hbm>>) target(%dma_start3A_26 : memref<632x8xf32, #tpu.memory_space<vmem_shared>>) target_semaphore(%run_scoped3A_25 : memref<!tpu.dma_semaphore, #tpu.memory_space<semaphore_mem>>)
      %dma_wait3A = arith.constant 0 : i32
      %dma_wait3A_29 = tpu.memref_slice %arg19[%mul3A_7, %dma_wait3A] : memref<10112x8xf32, #tpu.memory_space<vmem_shared>> -> memref<632x8xf32, #tpu.memory_space<vmem_shared>>
      %dma_wait3A_30 = arith.constant 0 : i32
      %dma_wait3A_31 = tpu.memref_slice %arg6[%mul3A_7, %dma_wait3A_30] : memref<10112x8xf32, #tpu.memory_space<hbm>> -> memref<632x8xf32, #tpu.memory_space<hbm>>
      tpu.wait_dma2 semaphore(%run_scoped3A_25 : memref<!tpu.dma_semaphore, #tpu.memory_space<semaphore_mem>>) src(%dma_wait3A_31 : memref<632x8xf32, #tpu.memory_space<hbm>>) dst(%dma_wait3A_29 : memref<632x8xf32, #tpu.memory_space<vmem_shared>>)
      tpu.yield
    }) : () -> ()
    %barrier3A = arith.constant 0 : index
    tpu.barrier barrier_id(%barrier3A)
    %scan3A_19 = arith.constant 0 : i32
    %scan3A_20 = arith.constant 5 : i32
    %scan3A_21 = arith.addi %scan3A_19, %scan3A_20 : i32
    %scan3A_22 = arith.constant 1 : i32
    scf.for %scan3A_25 = %scan3A_19 to %scan3A_21 step %scan3A_22  : i32 {
      %mul3A_26 = arith.constant 1 : i32
      %mul3A_27 = arith.muli %scan3A_25, %mul3A_26 : i32
      %add3A_28 = arith.constant 0 : i32
      %add3A_29 = arith.addi %add3A_28, %mul3A_27 : i32
      %jit3A = arith.constant 2 : i32
      %eq3A = arith.constant 0 : i32
      %eq3A_30 = arith.cmpi eq, %jit3A, %eq3A : i32
      %jit3A_31 = arith.constant 1 : i32
      %select_n3A = arith.select %eq3A_30, %jit3A_31, %jit3A : i32
      %rem3A = arith.remsi %add3A_29, %select_n3A : i32
      %ne3A = arith.constant 0 : i32
      %ne3A_32 = arith.cmpi ne, %rem3A, %ne3A : i32
      %lt3A = arith.constant 0 : i32
      %lt3A_33 = arith.cmpi slt, %rem3A, %lt3A : i32
      %lt3A_34 = arith.constant 0 : i32
      %lt3A_35 = arith.cmpi slt, %select_n3A, %lt3A_34 : i32
      %ne3A_36 = arith.xori %lt3A_33, %lt3A_35 : i1
      %and3A = arith.andi %ne3A_36, %ne3A_32 : i1
      %add3A_37 = arith.addi %rem3A, %select_n3A : i32
      %select_n3A_38 = arith.select %and3A, %add3A_37, %rem3A : i32
      %add3A_39 = arith.constant 1 : i32
      %add3A_40 = arith.addi %add3A_29, %add3A_39 : i32
      %lt3A_41 = arith.constant 5 : i32
      %lt3A_42 = arith.cmpi slt, %add3A_40, %lt3A_41 : i32
      %convert_element_type3A = arith.extui %lt3A_42 : i1 to i32
      %cond3A = arith.constant 0 : i32
      %cond3A_43 = arith.cmpi ne, %convert_element_type3A, %cond3A : i32
      scf.if %cond3A_43 {
        %add3A_67 = arith.constant 1 : i32
        %add3A_68 = arith.addi %add3A_29, %add3A_67 : i32
        %mul3A_69 = arith.constant 16 : i32
        %mul3A_70 = arith.muli %add3A_68, %mul3A_69 : i32
        %sub3A_71 = arith.constant 1 : i32
        %sub3A_72 = arith.subi %sub3A_71, %select_n3A_38 : i32
        %dma_start3A_73 = arith.constant 0 : i32
        %dma_start3A_74 = arith.constant 0 : i32
        %dma_start3A_75 = tpu.memref_slice %arg9[%sub3A_72, %dma_start3A_73, %dma_start3A_74] : memref<2x16x128xi32, #tpu.memory_space<vmem>> -> memref<1x16x128xi32, #tpu.memory_space<vmem>>
        %dma_start3A_76 = tpu.memref_squeeze %dma_start3A_75 : memref<1x16x128xi32, #tpu.memory_space<vmem>> -> memref<16x128xi32, #tpu.memory_space<vmem>>
        %dma_start3A_77 = arith.constant 0 : i32
        %dma_start3A_78 = tpu.memref_slice %arg3[%add3A, %mul3A_70, %dma_start3A_77] : memref<32x80x128xi32, #tpu.memory_space<hbm>> -> memref<1x16x128xi32, #tpu.memory_space<hbm>>
        %dma_start3A_79 = tpu.memref_squeeze %dma_start3A_78 : memref<1x16x128xi32, #tpu.memory_space<hbm>> -> memref<16x128xi32, #tpu.memory_space<hbm>>
        %dma_start3A_80 = arith.constant 0 : i32
        %dma_start3A_81 = arith.constant 0 : i32
        %dma_start3A_82 = tpu.memref_slice %arg9[%sub3A_72, %dma_start3A_80, %dma_start3A_81] : memref<2x16x128xi32, #tpu.memory_space<vmem>> -> memref<1x16x128xi32, #tpu.memory_space<vmem>>
        %dma_start3A_83 = tpu.memref_squeeze %dma_start3A_82 : memref<1x16x128xi32, #tpu.memory_space<vmem>> -> memref<16x128xi32, #tpu.memory_space<vmem>>
        %dma_start3A_84 = arith.constant 0 : i32
        %dma_start3A_85 = tpu.memref_slice %arg3[%add3A, %mul3A_70, %dma_start3A_84] : memref<32x80x128xi32, #tpu.memory_space<hbm>> -> memref<1x16x128xi32, #tpu.memory_space<hbm>>
        %dma_start3A_86 = tpu.memref_squeeze %dma_start3A_85 : memref<1x16x128xi32, #tpu.memory_space<hbm>> -> memref<16x128xi32, #tpu.memory_space<hbm>>
        tpu.enqueue_dma source(%dma_start3A_86 : memref<16x128xi32, #tpu.memory_space<hbm>>) target(%dma_start3A_83 : memref<16x128xi32, #tpu.memory_space<vmem>>) target_semaphore(%arg16 : memref<!tpu.dma_semaphore, #tpu.memory_space<semaphore_mem>>)
        %add3A_87 = arith.constant 1 : i32
        %add3A_88 = arith.addi %add3A_29, %add3A_87 : i32
        %mul3A_89 = arith.constant 16 : i32
        %mul3A_90 = arith.muli %add3A_88, %mul3A_89 : i32
        %sub3A_91 = arith.constant 1 : i32
        %sub3A_92 = arith.subi %sub3A_91, %select_n3A_38 : i32
        %dma_start3A_93 = arith.constant 0 : i32
        %dma_start3A_94 = arith.constant 0 : i32
        %dma_start3A_95 = tpu.memref_slice %arg10[%sub3A_92, %dma_start3A_93, %dma_start3A_94] : memref<2x16x128xi32, #tpu.memory_space<vmem>> -> memref<1x16x128xi32, #tpu.memory_space<vmem>>
        %dma_start3A_96 = tpu.memref_squeeze %dma_start3A_95 : memref<1x16x128xi32, #tpu.memory_space<vmem>> -> memref<16x128xi32, #tpu.memory_space<vmem>>
        %dma_start3A_97 = arith.constant 0 : i32
        %dma_start3A_98 = tpu.memref_slice %arg4[%add3A, %mul3A_90, %dma_start3A_97] : memref<32x80x128xi32, #tpu.memory_space<hbm>> -> memref<1x16x128xi32, #tpu.memory_space<hbm>>
        %dma_start3A_99 = tpu.memref_squeeze %dma_start3A_98 : memref<1x16x128xi32, #tpu.memory_space<hbm>> -> memref<16x128xi32, #tpu.memory_space<hbm>>
        %dma_start3A_100 = arith.constant 0 : i32
        %dma_start3A_101 = arith.constant 0 : i32
        %dma_start3A_102 = tpu.memref_slice %arg10[%sub3A_92, %dma_start3A_100, %dma_start3A_101] : memref<2x16x128xi32, #tpu.memory_space<vmem>> -> memref<1x16x128xi32, #tpu.memory_space<vmem>>
        %dma_start3A_103 = tpu.memref_squeeze %dma_start3A_102 : memref<1x16x128xi32, #tpu.memory_space<vmem>> -> memref<16x128xi32, #tpu.memory_space<vmem>>
        %dma_start3A_104 = arith.constant 0 : i32
        %dma_start3A_105 = tpu.memref_slice %arg4[%add3A, %mul3A_90, %dma_start3A_104] : memref<32x80x128xi32, #tpu.memory_space<hbm>> -> memref<1x16x128xi32, #tpu.memory_space<hbm>>
        %dma_start3A_106 = tpu.memref_squeeze %dma_start3A_105 : memref<1x16x128xi32, #tpu.memory_space<hbm>> -> memref<16x128xi32, #tpu.memory_space<hbm>>
        tpu.enqueue_dma source(%dma_start3A_106 : memref<16x128xi32, #tpu.memory_space<hbm>>) target(%dma_start3A_103 : memref<16x128xi32, #tpu.memory_space<vmem>>) target_semaphore(%arg17 : memref<!tpu.dma_semaphore, #tpu.memory_space<semaphore_mem>>)
      } else {
      }
      %dma_start3A = arith.constant 0 : i32
      %dma_start3A_44 = arith.constant 0 : i32
      %dma_start3A_45 = tpu.memref_slice %arg9[%select_n3A_38, %dma_start3A, %dma_start3A_44] : memref<2x16x128xi32, #tpu.memory_space<vmem>> -> memref<1x1x128xi32, #tpu.memory_space<vmem>>
      %dma_start3A_46 = tpu.memref_squeeze %dma_start3A_45 : memref<1x1x128xi32, #tpu.memory_space<vmem>> -> memref<128xi32, #tpu.memory_space<vmem>>
      %dma_start3A_47 = arith.constant 0 : i32
      %dma_start3A_48 = arith.constant 0 : i32
      %dma_start3A_49 = tpu.memref_slice %arg2[%dma_start3A_47, %dma_start3A_48] : memref<10000x128xf32, #tpu.memory_space<hbm>> -> memref<10000x128xf32, #tpu.memory_space<hbm>>
      tpu.enqueue_indirect_dma source(%dma_start3A_49 : memref<10000x128xf32, #tpu.memory_space<hbm>>) target(%arg11 : memref<128x128xf32, #tpu.memory_space<vmem>>) offsets(%dma_start3A_46 : memref<128xi32, #tpu.memory_space<vmem>>) semaphore(%arg14 : memref<!tpu.dma_semaphore, #tpu.memory_space<semaphore_mem>>)
      %scan3A_50 = arith.constant 0 : i32
      %scan3A_51 = arith.constant 8 : i32
      %scan3A_52 = arith.addi %scan3A_50, %scan3A_51 : i32
      %scan3A_53 = arith.constant 1 : i32
      scf.for %scan3A_67 = %scan3A_50 to %scan3A_52 step %scan3A_53  : i32 {
        %mul3A_68 = arith.constant 1 : i32
        %mul3A_69 = arith.muli %scan3A_67, %mul3A_68 : i32
        %add3A_70 = arith.constant 0 : i32
        %add3A_71 = arith.addi %add3A_70, %mul3A_69 : i32
        %mul3A_72 = arith.constant 2 : i32
        %mul3A_73 = arith.muli %add3A_71, %mul3A_72 : i32
        %add3A_74 = arith.constant 1 : i32
        %add3A_75 = arith.addi %mul3A_73, %add3A_74 : i32
        %dma_start3A_76 = arith.constant 0 : i32
        %dma_start3A_77 = tpu.memref_slice %arg9[%select_n3A_38, %add3A_75, %dma_start3A_76] : memref<2x16x128xi32, #tpu.memory_space<vmem>> -> memref<1x1x128xi32, #tpu.memory_space<vmem>>
        %dma_start3A_78 = tpu.memref_squeeze %dma_start3A_77 : memref<1x1x128xi32, #tpu.memory_space<vmem>> -> memref<128xi32, #tpu.memory_space<vmem>>
        %dma_start3A_79 = arith.constant 0 : i32
        %dma_start3A_80 = arith.constant 0 : i32
        %dma_start3A_81 = tpu.memref_slice %arg2[%dma_start3A_79, %dma_start3A_80] : memref<10000x128xf32, #tpu.memory_space<hbm>> -> memref<10000x128xf32, #tpu.memory_space<hbm>>
        tpu.enqueue_indirect_dma source(%dma_start3A_81 : memref<10000x128xf32, #tpu.memory_space<hbm>>) target(%arg12 : memref<128x128xf32, #tpu.memory_space<vmem>>) offsets(%dma_start3A_78 : memref<128xi32, #tpu.memory_space<vmem>>) semaphore(%arg15 : memref<!tpu.dma_semaphore, #tpu.memory_space<semaphore_mem>>)
        %dma_wait3A = arith.constant 0 : i32
        %dma_wait3A_82 = tpu.memref_slice %arg9[%select_n3A_38, %mul3A_73, %dma_wait3A] : memref<2x16x128xi32, #tpu.memory_space<vmem>> -> memref<1x1x128xi32, #tpu.memory_space<vmem>>
        %dma_wait3A_83 = tpu.memref_squeeze %dma_wait3A_82 : memref<1x1x128xi32, #tpu.memory_space<vmem>> -> memref<128xi32, #tpu.memory_space<vmem>>
        %dma_wait3A_84 = arith.constant 0 : i32
        %dma_wait3A_85 = arith.constant 0 : i32
        %dma_wait3A_86 = tpu.memref_slice %arg2[%dma_wait3A_84, %dma_wait3A_85] : memref<10000x128xf32, #tpu.memory_space<hbm>> -> memref<10000x128xf32, #tpu.memory_space<hbm>>
        tpu.wait_indirect_dma semaphore(%arg14 : memref<!tpu.dma_semaphore, #tpu.memory_space<semaphore_mem>>) src(%dma_wait3A_86 : memref<10000x128xf32, #tpu.memory_space<hbm>>) dst(%arg11 : memref<128x128xf32, #tpu.memory_space<vmem>>)
        "tpu.region"() ({
          %run_scoped3A_116 = tpu.sem_alloc : memref<!tpu.dma_semaphore, #tpu.memory_space<semaphore_mem>>
          %dma_start3A_117 = arith.constant 0 : i32
          %dma_start3A_118 = tpu.memref_slice %arg10[%select_n3A_38, %mul3A_73, %dma_start3A_117] : memref<2x16x128xi32, #tpu.memory_space<vmem>> -> memref<1x1x128xi32, #tpu.memory_space<vmem>>
          %dma_start3A_119 = tpu.memref_squeeze %dma_start3A_118 : memref<1x1x128xi32, #tpu.memory_space<vmem>> -> memref<128xi32, #tpu.memory_space<vmem>>
          %dma_start3A_120 = arith.constant 0 : i32
          %dma_start3A_121 = arith.constant 0 : i32
          %dma_start3A_122 = tpu.memref_slice %arg13[%dma_start3A_120, %dma_start3A_121] : memref<10112x128xf32, #tpu.memory_space<vmem_shared>> -> memref<10112x128xf32, #tpu.memory_space<vmem_shared>>
          tpu.enqueue_indirect_dma source(%arg11 : memref<128x128xf32, #tpu.memory_space<vmem>>) target(%dma_start3A_122 : memref<10112x128xf32, #tpu.memory_space<vmem_shared>>) offsets(%dma_start3A_119 : memref<128xi32, #tpu.memory_space<vmem>>) semaphore(%run_scoped3A_116 : memref<!tpu.dma_semaphore, #tpu.memory_space<semaphore_mem>>) {add = true}
          %dma_wait3A_123 = arith.constant 0 : i32
          %dma_wait3A_124 = tpu.memref_slice %arg10[%select_n3A_38, %mul3A_73, %dma_wait3A_123] : memref<2x16x128xi32, #tpu.memory_space<vmem>> -> memref<1x1x128xi32, #tpu.memory_space<vmem>>
          %dma_wait3A_125 = tpu.memref_squeeze %dma_wait3A_124 : memref<1x1x128xi32, #tpu.memory_space<vmem>> -> memref<128xi32, #tpu.memory_space<vmem>>
          %dma_wait3A_126 = arith.constant 0 : i32
          %dma_wait3A_127 = arith.constant 0 : i32
          %dma_wait3A_128 = tpu.memref_slice %arg13[%dma_wait3A_126, %dma_wait3A_127] : memref<10112x128xf32, #tpu.memory_space<vmem_shared>> -> memref<10112x128xf32, #tpu.memory_space<vmem_shared>>
          tpu.wait_indirect_dma semaphore(%run_scoped3A_116 : memref<!tpu.dma_semaphore, #tpu.memory_space<semaphore_mem>>) src(%arg11 : memref<128x128xf32, #tpu.memory_space<vmem>>) dst(%dma_wait3A_128 : memref<10112x128xf32, #tpu.memory_space<vmem_shared>>)
          tpu.yield
        }) : () -> ()
        %add3A_87 = arith.constant 2 : i32
        %add3A_88 = arith.addi %mul3A_73, %add3A_87 : i32
        %lt3A_89 = arith.constant 16 : i32
        %lt3A_90 = arith.cmpi slt, %add3A_88, %lt3A_89 : i32
        %convert_element_type3A_91 = arith.extui %lt3A_90 : i1 to i32
        %cond3A_92 = arith.constant 0 : i32
        %cond3A_93 = arith.cmpi ne, %convert_element_type3A_91, %cond3A_92 : i32
        scf.if %cond3A_93 {
          %add3A_116 = arith.constant 2 : i32
          %add3A_117 = arith.addi %mul3A_73, %add3A_116 : i32
          %dma_start3A_118 = arith.constant 0 : i32
          %dma_start3A_119 = tpu.memref_slice %arg9[%select_n3A_38, %add3A_117, %dma_start3A_118] : memref<2x16x128xi32, #tpu.memory_space<vmem>> -> memref<1x1x128xi32, #tpu.memory_space<vmem>>
          %dma_start3A_120 = tpu.memref_squeeze %dma_start3A_119 : memref<1x1x128xi32, #tpu.memory_space<vmem>> -> memref<128xi32, #tpu.memory_space<vmem>>
          %dma_start3A_121 = arith.constant 0 : i32
          %dma_start3A_122 = arith.constant 0 : i32
          %dma_start3A_123 = tpu.memref_slice %arg2[%dma_start3A_121, %dma_start3A_122] : memref<10000x128xf32, #tpu.memory_space<hbm>> -> memref<10000x128xf32, #tpu.memory_space<hbm>>
          tpu.enqueue_indirect_dma source(%dma_start3A_123 : memref<10000x128xf32, #tpu.memory_space<hbm>>) target(%arg11 : memref<128x128xf32, #tpu.memory_space<vmem>>) offsets(%dma_start3A_120 : memref<128xi32, #tpu.memory_space<vmem>>) semaphore(%arg14 : memref<!tpu.dma_semaphore, #tpu.memory_space<semaphore_mem>>)
        } else {
        }
        %dma_start3A_94 = arith.constant 0 : i32
        %dma_start3A_95 = tpu.memref_slice %arg10[%select_n3A_38, %mul3A_73, %dma_start3A_94] : memref<2x16x128xi32, #tpu.memory_space<vmem>> -> memref<1x1x128xi32, #tpu.memory_space<vmem>>
        %dma_start3A_96 = tpu.memref_squeeze %dma_start3A_95 : memref<1x1x128xi32, #tpu.memory_space<vmem>> -> memref<128xi32, #tpu.memory_space<vmem>>
        %dma_start3A_97 = arith.constant 0 : i32
        %dma_start3A_98 = arith.constant 0 : i32
        %dma_start3A_99 = tpu.memref_slice %arg19[%dma_start3A_97, %dma_start3A_98] : memref<10112x8xf32, #tpu.memory_space<vmem_shared>> -> memref<10112x8xf32, #tpu.memory_space<vmem_shared>>
        tpu.enqueue_indirect_dma source(%arg18 : memref<128x8xf32, #tpu.memory_space<vmem>>) target(%dma_start3A_99 : memref<10112x8xf32, #tpu.memory_space<vmem_shared>>) offsets(%dma_start3A_96 : memref<128xi32, #tpu.memory_space<vmem>>) semaphore(%arg20 : memref<!tpu.dma_semaphore, #tpu.memory_space<semaphore_mem>>) {add = true}
        %dma_wait3A_100 = arith.constant 0 : i32
        %dma_wait3A_101 = tpu.memref_slice %arg9[%select_n3A_38, %add3A_75, %dma_wait3A_100] : memref<2x16x128xi32, #tpu.memory_space<vmem>> -> memref<1x1x128xi32, #tpu.memory_space<vmem>>
        %dma_wait3A_102 = tpu.memref_squeeze %dma_wait3A_101 : memref<1x1x128xi32, #tpu.memory_space<vmem>> -> memref<128xi32, #tpu.memory_space<vmem>>
        %dma_wait3A_103 = arith.constant 0 : i32
        %dma_wait3A_104 = arith.constant 0 : i32
        %dma_wait3A_105 = tpu.memref_slice %arg2[%dma_wait3A_103, %dma_wait3A_104] : memref<10000x128xf32, #tpu.memory_space<hbm>> -> memref<10000x128xf32, #tpu.memory_space<hbm>>
        tpu.wait_indirect_dma semaphore(%arg15 : memref<!tpu.dma_semaphore, #tpu.memory_space<semaphore_mem>>) src(%dma_wait3A_105 : memref<10000x128xf32, #tpu.memory_space<hbm>>) dst(%arg12 : memref<128x128xf32, #tpu.memory_space<vmem>>)
        %add3A_106 = arith.constant 1 : i32
        %add3A_107 = arith.addi %mul3A_73, %add3A_106 : i32
        "tpu.region"() ({
          %run_scoped3A_116 = tpu.sem_alloc : memref<!tpu.dma_semaphore, #tpu.memory_space<semaphore_mem>>
          %dma_start3A_117 = arith.constant 0 : i32
          %dma_start3A_118 = tpu.memref_slice %arg10[%select_n3A_38, %add3A_107, %dma_start3A_117] : memref<2x16x128xi32, #tpu.memory_space<vmem>> -> memref<1x1x128xi32, #tpu.memory_space<vmem>>
          %dma_start3A_119 = tpu.memref_squeeze %dma_start3A_118 : memref<1x1x128xi32, #tpu.memory_space<vmem>> -> memref<128xi32, #tpu.memory_space<vmem>>
          %dma_start3A_120 = arith.constant 0 : i32
          %dma_start3A_121 = arith.constant 0 : i32
          %dma_start3A_122 = tpu.memref_slice %arg13[%dma_start3A_120, %dma_start3A_121] : memref<10112x128xf32, #tpu.memory_space<vmem_shared>> -> memref<10112x128xf32, #tpu.memory_space<vmem_shared>>
          tpu.enqueue_indirect_dma source(%arg12 : memref<128x128xf32, #tpu.memory_space<vmem>>) target(%dma_start3A_122 : memref<10112x128xf32, #tpu.memory_space<vmem_shared>>) offsets(%dma_start3A_119 : memref<128xi32, #tpu.memory_space<vmem>>) semaphore(%run_scoped3A_116 : memref<!tpu.dma_semaphore, #tpu.memory_space<semaphore_mem>>) {add = true}
          %dma_wait3A_123 = arith.constant 0 : i32
          %dma_wait3A_124 = tpu.memref_slice %arg10[%select_n3A_38, %add3A_107, %dma_wait3A_123] : memref<2x16x128xi32, #tpu.memory_space<vmem>> -> memref<1x1x128xi32, #tpu.memory_space<vmem>>
          %dma_wait3A_125 = tpu.memref_squeeze %dma_wait3A_124 : memref<1x1x128xi32, #tpu.memory_space<vmem>> -> memref<128xi32, #tpu.memory_space<vmem>>
          %dma_wait3A_126 = arith.constant 0 : i32
          %dma_wait3A_127 = arith.constant 0 : i32
          %dma_wait3A_128 = tpu.memref_slice %arg13[%dma_wait3A_126, %dma_wait3A_127] : memref<10112x128xf32, #tpu.memory_space<vmem_shared>> -> memref<10112x128xf32, #tpu.memory_space<vmem_shared>>
          tpu.wait_indirect_dma semaphore(%run_scoped3A_116 : memref<!tpu.dma_semaphore, #tpu.memory_space<semaphore_mem>>) src(%arg12 : memref<128x128xf32, #tpu.memory_space<vmem>>) dst(%dma_wait3A_128 : memref<10112x128xf32, #tpu.memory_space<vmem_shared>>)
          tpu.yield
        }) : () -> ()
        %add3A_108 = arith.constant 1 : i32
        %add3A_109 = arith.addi %mul3A_73, %add3A_108 : i32
        %dma_start3A_110 = arith.constant 0 : i32
        %dma_start3A_111 = tpu.memref_slice %arg10[%select_n3A_38, %add3A_109, %dma_start3A_110] : memref<2x16x128xi32, #tpu.memory_space<vmem>> -> memref<1x1x128xi32, #tpu.memory_space<vmem>>
        %dma_start3A_112 = tpu.memref_squeeze %dma_start3A_111 : memref<1x1x128xi32, #tpu.memory_space<vmem>> -> memref<128xi32, #tpu.memory_space<vmem>>
        %dma_start3A_113 = arith.constant 0 : i32
        %dma_start3A_114 = arith.constant 0 : i32
        %dma_start3A_115 = tpu.memref_slice %arg19[%dma_start3A_113, %dma_start3A_114] : memref<10112x8xf32, #tpu.memory_space<vmem_shared>> -> memref<10112x8xf32, #tpu.memory_space<vmem_shared>>
        tpu.enqueue_indirect_dma source(%arg18 : memref<128x8xf32, #tpu.memory_space<vmem>>) target(%dma_start3A_115 : memref<10112x8xf32, #tpu.memory_space<vmem_shared>>) offsets(%dma_start3A_112 : memref<128xi32, #tpu.memory_space<vmem>>) semaphore(%arg20 : memref<!tpu.dma_semaphore, #tpu.memory_space<semaphore_mem>>) {add = true}
      }
      %scan3A_54 = arith.constant 8 : i32
      %scan3A_55 = arith.constant 0 : i32
      %scan3A_56 = arith.constant 16 : i32
      %scan3A_57 = arith.addi %scan3A_55, %scan3A_56 : i32
      %scan3A_58 = arith.constant 1 : i32
      scf.for %scan3A_67 = %scan3A_55 to %scan3A_57 step %scan3A_58  : i32 {
        %mul3A_68 = arith.constant 1 : i32
        %mul3A_69 = arith.muli %scan3A_67, %mul3A_68 : i32
        %add3A_70 = arith.constant 0 : i32
        %add3A_71 = arith.addi %add3A_70, %mul3A_69 : i32
        %dma_wait3A = arith.constant 0 : i32
        %dma_wait3A_72 = arith.constant 0 : i32
        %dma_wait3A_73 = tpu.memref_slice %arg10[%select_n3A_38, %dma_wait3A, %dma_wait3A_72] : memref<2x16x128xi32, #tpu.memory_space<vmem>> -> memref<1x1x128xi32, #tpu.memory_space<vmem>>
        %dma_wait3A_74 = tpu.memref_squeeze %dma_wait3A_73 : memref<1x1x128xi32, #tpu.memory_space<vmem>> -> memref<128xi32, #tpu.memory_space<vmem>>
        %dma_wait3A_75 = arith.constant 0 : i32
        %dma_wait3A_76 = arith.constant 0 : i32
        %dma_wait3A_77 = tpu.memref_slice %arg19[%dma_wait3A_75, %dma_wait3A_76] : memref<10112x8xf32, #tpu.memory_space<vmem_shared>> -> memref<10112x8xf32, #tpu.memory_space<vmem_shared>>
        tpu.wait_indirect_dma semaphore(%arg20 : memref<!tpu.dma_semaphore, #tpu.memory_space<semaphore_mem>>) src(%arg18 : memref<128x8xf32, #tpu.memory_space<vmem>>) dst(%dma_wait3A_77 : memref<10112x8xf32, #tpu.memory_space<vmem_shared>>)
      }
      %scan3A_59 = arith.constant 16 : i32
      %add3A_60 = arith.constant 1 : i32
      %add3A_61 = arith.addi %add3A_29, %add3A_60 : i32
      %lt3A_62 = arith.constant 5 : i32
      %lt3A_63 = arith.cmpi slt, %add3A_61, %lt3A_62 : i32
      %convert_element_type3A_64 = arith.extui %lt3A_63 : i1 to i32
      %cond3A_65 = arith.constant 0 : i32
      %cond3A_66 = arith.cmpi ne, %convert_element_type3A_64, %cond3A_65 : i32
      scf.if %cond3A_66 {
        %dma_wait3A = arith.constant 0 : i32
        %dma_wait3A_67 = arith.constant 0 : i32
        %dma_wait3A_68 = arith.constant 0 : i32
        %dma_wait3A_69 = tpu.memref_slice %arg9[%dma_wait3A, %dma_wait3A_67, %dma_wait3A_68] : memref<2x16x128xi32, #tpu.memory_space<vmem>> -> memref<1x16x128xi32, #tpu.memory_space<vmem>>
        %dma_wait3A_70 = tpu.memref_squeeze %dma_wait3A_69 : memref<1x16x128xi32, #tpu.memory_space<vmem>> -> memref<16x128xi32, #tpu.memory_space<vmem>>
        %dma_wait3A_71 = arith.constant 0 : i32
        %dma_wait3A_72 = arith.constant 0 : i32
        %dma_wait3A_73 = tpu.memref_slice %arg3[%add3A, %dma_wait3A_71, %dma_wait3A_72] : memref<32x80x128xi32, #tpu.memory_space<hbm>> -> memref<1x16x128xi32, #tpu.memory_space<hbm>>
        %dma_wait3A_74 = tpu.memref_squeeze %dma_wait3A_73 : memref<1x16x128xi32, #tpu.memory_space<hbm>> -> memref<16x128xi32, #tpu.memory_space<hbm>>
        %dma_wait3A_75 = arith.constant 0 : i32
        %dma_wait3A_76 = arith.constant 0 : i32
        %dma_wait3A_77 = tpu.memref_slice %arg9[%dma_wait3A, %dma_wait3A_75, %dma_wait3A_76] : memref<2x16x128xi32, #tpu.memory_space<vmem>> -> memref<1x16x128xi32, #tpu.memory_space<vmem>>
        %dma_wait3A_78 = tpu.memref_squeeze %dma_wait3A_77 : memref<1x16x128xi32, #tpu.memory_space<vmem>> -> memref<16x128xi32, #tpu.memory_space<vmem>>
        %dma_wait3A_79 = arith.constant 0 : i32
        %dma_wait3A_80 = arith.constant 0 : i32
        %dma_wait3A_81 = tpu.memref_slice %arg3[%add3A, %dma_wait3A_79, %dma_wait3A_80] : memref<32x80x128xi32, #tpu.memory_space<hbm>> -> memref<1x16x128xi32, #tpu.memory_space<hbm>>
        %dma_wait3A_82 = tpu.memref_squeeze %dma_wait3A_81 : memref<1x16x128xi32, #tpu.memory_space<hbm>> -> memref<16x128xi32, #tpu.memory_space<hbm>>
        tpu.wait_dma2 semaphore(%arg16 : memref<!tpu.dma_semaphore, #tpu.memory_space<semaphore_mem>>) src(%dma_wait3A_82 : memref<16x128xi32, #tpu.memory_space<hbm>>) dst(%dma_wait3A_78 : memref<16x128xi32, #tpu.memory_space<vmem>>)
        %dma_wait3A_83 = arith.constant 0 : i32
        %dma_wait3A_84 = arith.constant 0 : i32
        %dma_wait3A_85 = arith.constant 0 : i32
        %dma_wait3A_86 = tpu.memref_slice %arg10[%dma_wait3A_83, %dma_wait3A_84, %dma_wait3A_85] : memref<2x16x128xi32, #tpu.memory_space<vmem>> -> memref<1x16x128xi32, #tpu.memory_space<vmem>>
        %dma_wait3A_87 = tpu.memref_squeeze %dma_wait3A_86 : memref<1x16x128xi32, #tpu.memory_space<vmem>> -> memref<16x128xi32, #tpu.memory_space<vmem>>
        %dma_wait3A_88 = arith.constant 0 : i32
        %dma_wait3A_89 = arith.constant 0 : i32
        %dma_wait3A_90 = tpu.memref_slice %arg4[%add3A, %dma_wait3A_88, %dma_wait3A_89] : memref<32x80x128xi32, #tpu.memory_space<hbm>> -> memref<1x16x128xi32, #tpu.memory_space<hbm>>
        %dma_wait3A_91 = tpu.memref_squeeze %dma_wait3A_90 : memref<1x16x128xi32, #tpu.memory_space<hbm>> -> memref<16x128xi32, #tpu.memory_space<hbm>>
        %dma_wait3A_92 = arith.constant 0 : i32
        %dma_wait3A_93 = arith.constant 0 : i32
        %dma_wait3A_94 = tpu.memref_slice %arg10[%dma_wait3A_83, %dma_wait3A_92, %dma_wait3A_93] : memref<2x16x128xi32, #tpu.memory_space<vmem>> -> memref<1x16x128xi32, #tpu.memory_space<vmem>>
        %dma_wait3A_95 = tpu.memref_squeeze %dma_wait3A_94 : memref<1x16x128xi32, #tpu.memory_space<vmem>> -> memref<16x128xi32, #tpu.memory_space<vmem>>
        %dma_wait3A_96 = arith.constant 0 : i32
        %dma_wait3A_97 = arith.constant 0 : i32
        %dma_wait3A_98 = tpu.memref_slice %arg4[%add3A, %dma_wait3A_96, %dma_wait3A_97] : memref<32x80x128xi32, #tpu.memory_space<hbm>> -> memref<1x16x128xi32, #tpu.memory_space<hbm>>
        %dma_wait3A_99 = tpu.memref_squeeze %dma_wait3A_98 : memref<1x16x128xi32, #tpu.memory_space<hbm>> -> memref<16x128xi32, #tpu.memory_space<hbm>>
        tpu.wait_dma2 semaphore(%arg17 : memref<!tpu.dma_semaphore, #tpu.memory_space<semaphore_mem>>) src(%dma_wait3A_99 : memref<16x128xi32, #tpu.memory_space<hbm>>) dst(%dma_wait3A_95 : memref<16x128xi32, #tpu.memory_space<vmem>>)
      } else {
      }
    }
    %scan3A_23 = arith.constant 5 : i32
    %barrier3A_24 = arith.constant 0 : index
    tpu.barrier barrier_id(%barrier3A_24)
    "tpu.region"() ({
      %run_scoped3A_25 = tpu.sem_alloc : memref<!tpu.dma_semaphore, #tpu.memory_space<semaphore_mem>>
      %dma_start3A = arith.constant 0 : i32
      %dma_start3A_26 = tpu.memref_slice %arg7[%arg0, %mul3A_7, %dma_start3A] : memref<2x10112x128xf32, #tpu.memory_space<hbm>> -> memref<1x632x128xf32, #tpu.memory_space<hbm>>
      %dma_start3A_27 = tpu.memref_squeeze %dma_start3A_26 : memref<1x632x128xf32, #tpu.memory_space<hbm>> -> memref<632x128xf32, #tpu.memory_space<hbm>>
      %dma_start3A_28 = arith.constant 0 : i32
      %dma_start3A_29 = tpu.memref_slice %arg13[%mul3A_7, %dma_start3A_28] : memref<10112x128xf32, #tpu.memory_space<vmem_shared>> -> memref<632x128xf32, #tpu.memory_space<vmem_shared>>
      tpu.enqueue_dma source(%dma_start3A_29 : memref<632x128xf32, #tpu.memory_space<vmem_shared>>) target(%dma_start3A_27 : memref<632x128xf32, #tpu.memory_space<hbm>>) target_semaphore(%run_scoped3A_25 : memref<!tpu.dma_semaphore, #tpu.memory_space<semaphore_mem>>)
      %dma_wait3A = arith.constant 0 : i32
      %dma_wait3A_30 = tpu.memref_slice %arg7[%arg0, %mul3A_7, %dma_wait3A] : memref<2x10112x128xf32, #tpu.memory_space<hbm>> -> memref<1x632x128xf32, #tpu.memory_space<hbm>>
      %dma_wait3A_31 = tpu.memref_squeeze %dma_wait3A_30 : memref<1x632x128xf32, #tpu.memory_space<hbm>> -> memref<632x128xf32, #tpu.memory_space<hbm>>
      %dma_wait3A_32 = arith.constant 0 : i32
      %dma_wait3A_33 = tpu.memref_slice %arg13[%mul3A_7, %dma_wait3A_32] : memref<10112x128xf32, #tpu.memory_space<vmem_shared>> -> memref<632x128xf32, #tpu.memory_space<vmem_shared>>
      tpu.wait_dma2 semaphore(%run_scoped3A_25 : memref<!tpu.dma_semaphore, #tpu.memory_space<semaphore_mem>>) src(%dma_wait3A_33 : memref<632x128xf32, #tpu.memory_space<vmem_shared>>) dst(%dma_wait3A_31 : memref<632x128xf32, #tpu.memory_space<hbm>>)
      tpu.yield
    }) : () -> ()
    "tpu.region"() ({
      %run_scoped3A_25 = tpu.sem_alloc : memref<!tpu.dma_semaphore, #tpu.memory_space<semaphore_mem>>
      %dma_start3A = arith.constant 0 : i32
      %dma_start3A_26 = tpu.memref_slice %arg8[%arg0, %mul3A_7, %dma_start3A] : memref<2x10112x8xf32, #tpu.memory_space<hbm>> -> memref<1x632x8xf32, #tpu.memory_space<hbm>>
      %dma_start3A_27 = tpu.memref_squeeze %dma_start3A_26 : memref<1x632x8xf32, #tpu.memory_space<hbm>> -> memref<632x8xf32, #tpu.memory_space<hbm>>
      %dma_start3A_28 = arith.constant 0 : i32
      %dma_start3A_29 = tpu.memref_slice %arg19[%mul3A_7, %dma_start3A_28] : memref<10112x8xf32, #tpu.memory_space<vmem_shared>> -> memref<632x8xf32, #tpu.memory_space<vmem_shared>>
      tpu.enqueue_dma source(%dma_start3A_29 : memref<632x8xf32, #tpu.memory_space<vmem_shared>>) target(%dma_start3A_27 : memref<632x8xf32, #tpu.memory_space<hbm>>) target_semaphore(%run_scoped3A_25 : memref<!tpu.dma_semaphore, #tpu.memory_space<semaphore_mem>>)
      %dma_wait3A = arith.constant 0 : i32
      %dma_wait3A_30 = tpu.memref_slice %arg8[%arg0, %mul3A_7, %dma_wait3A] : memref<2x10112x8xf32, #tpu.memory_space<hbm>> -> memref<1x632x8xf32, #tpu.memory_space<hbm>>
      %dma_wait3A_31 = tpu.memref_squeeze %dma_wait3A_30 : memref<1x632x8xf32, #tpu.memory_space<hbm>> -> memref<632x8xf32, #tpu.memory_space<hbm>>
      %dma_wait3A_32 = arith.constant 0 : i32
      %dma_wait3A_33 = tpu.memref_slice %arg19[%mul3A_7, %dma_wait3A_32] : memref<10112x8xf32, #tpu.memory_space<vmem_shared>> -> memref<632x8xf32, #tpu.memory_space<vmem_shared>>
      tpu.wait_dma2 semaphore(%run_scoped3A_25 : memref<!tpu.dma_semaphore, #tpu.memory_space<semaphore_mem>>) src(%dma_wait3A_33 : memref<632x8xf32, #tpu.memory_space<vmem_shared>>) dst(%dma_wait3A_31 : memref<632x8xf32, #tpu.memory_space<hbm>>)
      tpu.yield
    }) : () -> ()
    return
  }
}

#map = affine_map<(d0, d1) -> (0, 0)>
#map1 = affine_map<(d0, d1) -> (0, 0, 0)>
module attributes {stable_mosaic.version = 14 : i64} {
  func.func @body(%arg0: i32, %arg1: i32, %arg2: memref<10000x128xf32, #tpu.memory_space<hbm>>, %arg3: memref<32x80x128xi32, #tpu.memory_space<hbm>>, %arg4: memref<32x80x128xi32, #tpu.memory_space<hbm>>, %arg5: memref<2x10112x128xf32, #tpu.memory_space<hbm>>, %arg6: memref<2x16x128xi32, #tpu.memory_space<vmem>>, %arg7: memref<2x16x128xi32, #tpu.memory_space<vmem>>, %arg8: memref<128x128xf32, #tpu.memory_space<vmem>>, %arg9: memref<128x128xf32, #tpu.memory_space<vmem>>, %arg10: memref<10112x128xf32, #tpu.memory_space<vmem_shared>>, %arg11: memref<!tpu.dma_semaphore, #tpu.memory_space<semaphore_mem>>, %arg12: memref<!tpu.dma_semaphore, #tpu.memory_space<semaphore_mem>>, %arg13: memref<!tpu.dma_semaphore, #tpu.memory_space<semaphore_mem>>, %arg14: memref<!tpu.dma_semaphore, #tpu.memory_space<semaphore_mem>>) attributes {dimension_semantics = [#tpu.dimension_semantics<core_parallel>, #tpu.dimension_semantics<subcore_parallel>], iteration_bounds = array<i64: 2, 16>, scalar_prefetch = 0 : i64, scratch_operands = 9 : i64, tpu.core_type = #tpu.core_type<sc_vector_subcore>, window_params = [{transform_indices = #map}, {transform_indices = #map1}, {transform_indices = #map1}, {transform_indices = #map1}]} {
    %mul3A = arith.constant 2 : i32
    %mul3A_0 = arith.muli %arg1, %mul3A : i32
    %add3A = arith.addi %mul3A_0, %arg0 : i32
    %run_scoped3A = arith.constant 0 : i32
    "tpu.region"() ({
      %run_scoped3A_25 = tpu.sem_alloc : memref<!tpu.dma_semaphore, #tpu.memory_space<semaphore_mem>>
      %dma_start3A = arith.constant 0 : i32
      %dma_start3A_26 = arith.constant 0 : i32
      %dma_start3A_27 = tpu.memref_slice %arg6[%run_scoped3A, %dma_start3A, %dma_start3A_26] : memref<2x16x128xi32, #tpu.memory_space<vmem>> -> memref<1x16x128xi32, #tpu.memory_space<vmem>>
      %dma_start3A_28 = tpu.memref_squeeze %dma_start3A_27 : memref<1x16x128xi32, #tpu.memory_space<vmem>> -> memref<16x128xi32, #tpu.memory_space<vmem>>
      %dma_start3A_29 = arith.constant 0 : i32
      %dma_start3A_30 = arith.constant 0 : i32
      %dma_start3A_31 = tpu.memref_slice %arg3[%add3A, %dma_start3A_29, %dma_start3A_30] : memref<32x80x128xi32, #tpu.memory_space<hbm>> -> memref<1x16x128xi32, #tpu.memory_space<hbm>>
      %dma_start3A_32 = tpu.memref_squeeze %dma_start3A_31 : memref<1x16x128xi32, #tpu.memory_space<hbm>> -> memref<16x128xi32, #tpu.memory_space<hbm>>
      %dma_start3A_33 = arith.constant 0 : i32
      %dma_start3A_34 = arith.constant 0 : i32
      %dma_start3A_35 = tpu.memref_slice %arg6[%run_scoped3A, %dma_start3A_33, %dma_start3A_34] : memref<2x16x128xi32, #tpu.memory_space<vmem>> -> memref<1x16x128xi32, #tpu.memory_space<vmem>>
      %dma_start3A_36 = tpu.memref_squeeze %dma_start3A_35 : memref<1x16x128xi32, #tpu.memory_space<vmem>> -> memref<16x128xi32, #tpu.memory_space<vmem>>
      %dma_start3A_37 = arith.constant 0 : i32
      %dma_start3A_38 = arith.constant 0 : i32
      %dma_start3A_39 = tpu.memref_slice %arg3[%add3A, %dma_start3A_37, %dma_start3A_38] : memref<32x80x128xi32, #tpu.memory_space<hbm>> -> memref<1x16x128xi32, #tpu.memory_space<hbm>>
      %dma_start3A_40 = tpu.memref_squeeze %dma_start3A_39 : memref<1x16x128xi32, #tpu.memory_space<hbm>> -> memref<16x128xi32, #tpu.memory_space<hbm>>
      tpu.enqueue_dma source(%dma_start3A_40 : memref<16x128xi32, #tpu.memory_space<hbm>>) target(%dma_start3A_36 : memref<16x128xi32, #tpu.memory_space<vmem>>) target_semaphore(%run_scoped3A_25 : memref<!tpu.dma_semaphore, #tpu.memory_space<semaphore_mem>>)
      %dma_wait3A = arith.constant 0 : i32
      %dma_wait3A_41 = arith.constant 0 : i32
      %dma_wait3A_42 = tpu.memref_slice %arg6[%run_scoped3A, %dma_wait3A, %dma_wait3A_41] : memref<2x16x128xi32, #tpu.memory_space<vmem>> -> memref<1x16x128xi32, #tpu.memory_space<vmem>>
      %dma_wait3A_43 = tpu.memref_squeeze %dma_wait3A_42 : memref<1x16x128xi32, #tpu.memory_space<vmem>> -> memref<16x128xi32, #tpu.memory_space<vmem>>
      %dma_wait3A_44 = arith.constant 0 : i32
      %dma_wait3A_45 = arith.constant 0 : i32
      %dma_wait3A_46 = tpu.memref_slice %arg3[%add3A, %dma_wait3A_44, %dma_wait3A_45] : memref<32x80x128xi32, #tpu.memory_space<hbm>> -> memref<1x16x128xi32, #tpu.memory_space<hbm>>
      %dma_wait3A_47 = tpu.memref_squeeze %dma_wait3A_46 : memref<1x16x128xi32, #tpu.memory_space<hbm>> -> memref<16x128xi32, #tpu.memory_space<hbm>>
      %dma_wait3A_48 = arith.constant 0 : i32
      %dma_wait3A_49 = arith.constant 0 : i32
      %dma_wait3A_50 = tpu.memref_slice %arg6[%run_scoped3A, %dma_wait3A_48, %dma_wait3A_49] : memref<2x16x128xi32, #tpu.memory_space<vmem>> -> memref<1x16x128xi32, #tpu.memory_space<vmem>>
      %dma_wait3A_51 = tpu.memref_squeeze %dma_wait3A_50 : memref<1x16x128xi32, #tpu.memory_space<vmem>> -> memref<16x128xi32, #tpu.memory_space<vmem>>
      %dma_wait3A_52 = arith.constant 0 : i32
      %dma_wait3A_53 = arith.constant 0 : i32
      %dma_wait3A_54 = tpu.memref_slice %arg3[%add3A, %dma_wait3A_52, %dma_wait3A_53] : memref<32x80x128xi32, #tpu.memory_space<hbm>> -> memref<1x16x128xi32, #tpu.memory_space<hbm>>
      %dma_wait3A_55 = tpu.memref_squeeze %dma_wait3A_54 : memref<1x16x128xi32, #tpu.memory_space<hbm>> -> memref<16x128xi32, #tpu.memory_space<hbm>>
      tpu.wait_dma2 semaphore(%run_scoped3A_25 : memref<!tpu.dma_semaphore, #tpu.memory_space<semaphore_mem>>) src(%dma_wait3A_55 : memref<16x128xi32, #tpu.memory_space<hbm>>) dst(%dma_wait3A_51 : memref<16x128xi32, #tpu.memory_space<vmem>>)
      tpu.yield
    }) : () -> ()
    %run_scoped3A_1 = arith.constant 0 : i32
    "tpu.region"() ({
      %run_scoped3A_25 = tpu.sem_alloc : memref<!tpu.dma_semaphore, #tpu.memory_space<semaphore_mem>>
      %dma_start3A = arith.constant 0 : i32
      %dma_start3A_26 = arith.constant 0 : i32
      %dma_start3A_27 = tpu.memref_slice %arg7[%run_scoped3A_1, %dma_start3A, %dma_start3A_26] : memref<2x16x128xi32, #tpu.memory_space<vmem>> -> memref<1x16x128xi32, #tpu.memory_space<vmem>>
      %dma_start3A_28 = tpu.memref_squeeze %dma_start3A_27 : memref<1x16x128xi32, #tpu.memory_space<vmem>> -> memref<16x128xi32, #tpu.memory_space<vmem>>
      %dma_start3A_29 = arith.constant 0 : i32
      %dma_start3A_30 = arith.constant 0 : i32
      %dma_start3A_31 = tpu.memref_slice %arg4[%add3A, %dma_start3A_29, %dma_start3A_30] : memref<32x80x128xi32, #tpu.memory_space<hbm>> -> memref<1x16x128xi32, #tpu.memory_space<hbm>>
      %dma_start3A_32 = tpu.memref_squeeze %dma_start3A_31 : memref<1x16x128xi32, #tpu.memory_space<hbm>> -> memref<16x128xi32, #tpu.memory_space<hbm>>
      %dma_start3A_33 = arith.constant 0 : i32
      %dma_start3A_34 = arith.constant 0 : i32
      %dma_start3A_35 = tpu.memref_slice %arg7[%run_scoped3A_1, %dma_start3A_33, %dma_start3A_34] : memref<2x16x128xi32, #tpu.memory_space<vmem>> -> memref<1x16x128xi32, #tpu.memory_space<vmem>>
      %dma_start3A_36 = tpu.memref_squeeze %dma_start3A_35 : memref<1x16x128xi32, #tpu.memory_space<vmem>> -> memref<16x128xi32, #tpu.memory_space<vmem>>
      %dma_start3A_37 = arith.constant 0 : i32
      %dma_start3A_38 = arith.constant 0 : i32
      %dma_start3A_39 = tpu.memref_slice %arg4[%add3A, %dma_start3A_37, %dma_start3A_38] : memref<32x80x128xi32, #tpu.memory_space<hbm>> -> memref<1x16x128xi32, #tpu.memory_space<hbm>>
      %dma_start3A_40 = tpu.memref_squeeze %dma_start3A_39 : memref<1x16x128xi32, #tpu.memory_space<hbm>> -> memref<16x128xi32, #tpu.memory_space<hbm>>
      tpu.enqueue_dma source(%dma_start3A_40 : memref<16x128xi32, #tpu.memory_space<hbm>>) target(%dma_start3A_36 : memref<16x128xi32, #tpu.memory_space<vmem>>) target_semaphore(%run_scoped3A_25 : memref<!tpu.dma_semaphore, #tpu.memory_space<semaphore_mem>>)
      %dma_wait3A = arith.constant 0 : i32
      %dma_wait3A_41 = arith.constant 0 : i32
      %dma_wait3A_42 = tpu.memref_slice %arg7[%run_scoped3A_1, %dma_wait3A, %dma_wait3A_41] : memref<2x16x128xi32, #tpu.memory_space<vmem>> -> memref<1x16x128xi32, #tpu.memory_space<vmem>>
      %dma_wait3A_43 = tpu.memref_squeeze %dma_wait3A_42 : memref<1x16x128xi32, #tpu.memory_space<vmem>> -> memref<16x128xi32, #tpu.memory_space<vmem>>
      %dma_wait3A_44 = arith.constant 0 : i32
      %dma_wait3A_45 = arith.constant 0 : i32
      %dma_wait3A_46 = tpu.memref_slice %arg4[%add3A, %dma_wait3A_44, %dma_wait3A_45] : memref<32x80x128xi32, #tpu.memory_space<hbm>> -> memref<1x16x128xi32, #tpu.memory_space<hbm>>
      %dma_wait3A_47 = tpu.memref_squeeze %dma_wait3A_46 : memref<1x16x128xi32, #tpu.memory_space<hbm>> -> memref<16x128xi32, #tpu.memory_space<hbm>>
      %dma_wait3A_48 = arith.constant 0 : i32
      %dma_wait3A_49 = arith.constant 0 : i32
      %dma_wait3A_50 = tpu.memref_slice %arg7[%run_scoped3A_1, %dma_wait3A_48, %dma_wait3A_49] : memref<2x16x128xi32, #tpu.memory_space<vmem>> -> memref<1x16x128xi32, #tpu.memory_space<vmem>>
      %dma_wait3A_51 = tpu.memref_squeeze %dma_wait3A_50 : memref<1x16x128xi32, #tpu.memory_space<vmem>> -> memref<16x128xi32, #tpu.memory_space<vmem>>
      %dma_wait3A_52 = arith.constant 0 : i32
      %dma_wait3A_53 = arith.constant 0 : i32
      %dma_wait3A_54 = tpu.memref_slice %arg4[%add3A, %dma_wait3A_52, %dma_wait3A_53] : memref<32x80x128xi32, #tpu.memory_space<hbm>> -> memref<1x16x128xi32, #tpu.memory_space<hbm>>
      %dma_wait3A_55 = tpu.memref_squeeze %dma_wait3A_54 : memref<1x16x128xi32, #tpu.memory_space<hbm>> -> memref<16x128xi32, #tpu.memory_space<hbm>>
      tpu.wait_dma2 semaphore(%run_scoped3A_25 : memref<!tpu.dma_semaphore, #tpu.memory_space<semaphore_mem>>) src(%dma_wait3A_55 : memref<16x128xi32, #tpu.memory_space<hbm>>) dst(%dma_wait3A_51 : memref<16x128xi32, #tpu.memory_space<vmem>>)
      tpu.yield
    }) : () -> ()
    %scan3A = arith.constant 0 : i32
    %scan3A_2 = arith.constant 128 : i32
    %scan3A_3 = arith.addi %scan3A, %scan3A_2 : i32
    %scan3A_4 = arith.constant 1 : i32
    scf.for %scan3A_25 = %scan3A to %scan3A_3 step %scan3A_4  : i32 {
      %mul3A_26 = arith.constant 1 : i32
      %mul3A_27 = arith.muli %scan3A_25, %mul3A_26 : i32
      %add3A_28 = arith.constant 0 : i32
      %add3A_29 = arith.addi %add3A_28, %mul3A_27 : i32
      %scan3A_30 = arith.constant 0 : i32
      %scan3A_31 = arith.constant 8 : i32
      %scan3A_32 = arith.addi %scan3A_30, %scan3A_31 : i32
      %scan3A_33 = arith.constant 1 : i32
      scf.for %scan3A_35 = %scan3A_30 to %scan3A_32 step %scan3A_33  : i32 {
        %mul3A_36 = arith.constant 1 : i32
        %mul3A_37 = arith.muli %scan3A_35, %mul3A_36 : i32
        %add3A_38 = arith.constant 0 : i32
        %add3A_39 = arith.addi %add3A_38, %mul3A_37 : i32
        %broadcast_in_dim3A = arith.constant 0.000000e+00 : f32
        %broadcast_in_dim3A_40 = vector.broadcast %broadcast_in_dim3A : f32 to vector<16xf32>
        %mul3A_41 = arith.constant 16 : i32
        %mul3A_42 = arith.muli %add3A_39, %mul3A_41 : i32
        %swap3A = arith.index_cast %add3A_29 : i32 to index
        %swap3A_43 = arith.index_cast %mul3A_42 : i32 to index
        %swap3A_44 = tpu.vector_load %arg8[%swap3A, %swap3A_43] {strides = array<i32>} : memref<128x128xf32, #tpu.memory_space<vmem>>, vector<1x16xf32>,
        %swap3A_45 = vector.shape_cast %swap3A_44 : vector<1x16xf32> to vector<16xf32>
        %swap3A_46 = vector.shape_cast %broadcast_in_dim3A_40 : vector<16xf32> to vector<1x16xf32>
        tpu.vector_store %arg8[%swap3A, %swap3A_43], %swap3A_46 {strides = array<i32>} : memref<128x128xf32, #tpu.memory_space<vmem>>, vector<1x16xf32>,
      }
      %scan3A_34 = arith.constant 8 : i32
    }
    %scan3A_5 = arith.constant 128 : i32
    %mul3A_6 = arith.constant 632 : i32
    %mul3A_7 = arith.muli %arg1, %mul3A_6 : i32
    %add3A_8 = arith.constant 0 : i32
    %add3A_9 = arith.addi %mul3A_7, %add3A_8 : i32
    "tpu.region"() ({
      %run_scoped3A_25 = tpu.sem_alloc : memref<!tpu.dma_semaphore, #tpu.memory_space<semaphore_mem>>
      %dma_start3A = arith.constant 0 : i32
      %dma_start3A_26 = tpu.memref_slice %arg10[%add3A_9, %dma_start3A] : memref<10112x128xf32, #tpu.memory_space<vmem_shared>> -> memref<128x128xf32, #tpu.memory_space<vmem_shared>>
      %dma_start3A_27 = arith.constant 0 : i32
      %dma_start3A_28 = tpu.memref_slice %arg10[%add3A_9, %dma_start3A_27] : memref<10112x128xf32, #tpu.memory_space<vmem_shared>> -> memref<128x128xf32, #tpu.memory_space<vmem_shared>>
      tpu.enqueue_dma source(%arg8 : memref<128x128xf32, #tpu.memory_space<vmem>>) target(%dma_start3A_28 : memref<128x128xf32, #tpu.memory_space<vmem_shared>>) target_semaphore(%run_scoped3A_25 : memref<!tpu.dma_semaphore, #tpu.memory_space<semaphore_mem>>)
      %dma_wait3A = arith.constant 0 : i32
      %dma_wait3A_29 = tpu.memref_slice %arg10[%add3A_9, %dma_wait3A] : memref<10112x128xf32, #tpu.memory_space<vmem_shared>> -> memref<128x128xf32, #tpu.memory_space<vmem_shared>>
      %dma_wait3A_30 = arith.constant 0 : i32
      %dma_wait3A_31 = tpu.memref_slice %arg10[%add3A_9, %dma_wait3A_30] : memref<10112x128xf32, #tpu.memory_space<vmem_shared>> -> memref<128x128xf32, #tpu.memory_space<vmem_shared>>
      tpu.wait_dma2 semaphore(%run_scoped3A_25 : memref<!tpu.dma_semaphore, #tpu.memory_space<semaphore_mem>>) src(%arg8 : memref<128x128xf32, #tpu.memory_space<vmem>>) dst(%dma_wait3A_31 : memref<128x128xf32, #tpu.memory_space<vmem_shared>>)
      tpu.yield
    }) : () -> ()
    %add3A_10 = arith.constant 128 : i32
    %add3A_11 = arith.addi %mul3A_7, %add3A_10 : i32
    "tpu.region"() ({
      %run_scoped3A_25 = tpu.sem_alloc : memref<!tpu.dma_semaphore, #tpu.memory_space<semaphore_mem>>
      %dma_start3A = arith.constant 0 : i32
      %dma_start3A_26 = tpu.memref_slice %arg10[%add3A_11, %dma_start3A] : memref<10112x128xf32, #tpu.memory_space<vmem_shared>> -> memref<128x128xf32, #tpu.memory_space<vmem_shared>>
      %dma_start3A_27 = arith.constant 0 : i32
      %dma_start3A_28 = tpu.memref_slice %arg10[%add3A_11, %dma_start3A_27] : memref<10112x128xf32, #tpu.memory_space<vmem_shared>> -> memref<128x128xf32, #tpu.memory_space<vmem_shared>>
      tpu.enqueue_dma source(%arg8 : memref<128x128xf32, #tpu.memory_space<vmem>>) target(%dma_start3A_28 : memref<128x128xf32, #tpu.memory_space<vmem_shared>>) target_semaphore(%run_scoped3A_25 : memref<!tpu.dma_semaphore, #tpu.memory_space<semaphore_mem>>)
      %dma_wait3A = arith.constant 0 : i32
      %dma_wait3A_29 = tpu.memref_slice %arg10[%add3A_11, %dma_wait3A] : memref<10112x128xf32, #tpu.memory_space<vmem_shared>> -> memref<128x128xf32, #tpu.memory_space<vmem_shared>>
      %dma_wait3A_30 = arith.constant 0 : i32
      %dma_wait3A_31 = tpu.memref_slice %arg10[%add3A_11, %dma_wait3A_30] : memref<10112x128xf32, #tpu.memory_space<vmem_shared>> -> memref<128x128xf32, #tpu.memory_space<vmem_shared>>
      tpu.wait_dma2 semaphore(%run_scoped3A_25 : memref<!tpu.dma_semaphore, #tpu.memory_space<semaphore_mem>>) src(%arg8 : memref<128x128xf32, #tpu.memory_space<vmem>>) dst(%dma_wait3A_31 : memref<128x128xf32, #tpu.memory_space<vmem_shared>>)
      tpu.yield
    }) : () -> ()
    %add3A_12 = arith.constant 256 : i32
    %add3A_13 = arith.addi %mul3A_7, %add3A_12 : i32
    "tpu.region"() ({
      %run_scoped3A_25 = tpu.sem_alloc : memref<!tpu.dma_semaphore, #tpu.memory_space<semaphore_mem>>
      %dma_start3A = arith.constant 0 : i32
      %dma_start3A_26 = tpu.memref_slice %arg10[%add3A_13, %dma_start3A] : memref<10112x128xf32, #tpu.memory_space<vmem_shared>> -> memref<128x128xf32, #tpu.memory_space<vmem_shared>>
      %dma_start3A_27 = arith.constant 0 : i32
      %dma_start3A_28 = tpu.memref_slice %arg10[%add3A_13, %dma_start3A_27] : memref<10112x128xf32, #tpu.memory_space<vmem_shared>> -> memref<128x128xf32, #tpu.memory_space<vmem_shared>>
      tpu.enqueue_dma source(%arg8 : memref<128x128xf32, #tpu.memory_space<vmem>>) target(%dma_start3A_28 : memref<128x128xf32, #tpu.memory_space<vmem_shared>>) target_semaphore(%run_scoped3A_25 : memref<!tpu.dma_semaphore, #tpu.memory_space<semaphore_mem>>)
      %dma_wait3A = arith.constant 0 : i32
      %dma_wait3A_29 = tpu.memref_slice %arg10[%add3A_13, %dma_wait3A] : memref<10112x128xf32, #tpu.memory_space<vmem_shared>> -> memref<128x128xf32, #tpu.memory_space<vmem_shared>>
      %dma_wait3A_30 = arith.constant 0 : i32
      %dma_wait3A_31 = tpu.memref_slice %arg10[%add3A_13, %dma_wait3A_30] : memref<10112x128xf32, #tpu.memory_space<vmem_shared>> -> memref<128x128xf32, #tpu.memory_space<vmem_shared>>
      tpu.wait_dma2 semaphore(%run_scoped3A_25 : memref<!tpu.dma_semaphore, #tpu.memory_space<semaphore_mem>>) src(%arg8 : memref<128x128xf32, #tpu.memory_space<vmem>>) dst(%dma_wait3A_31 : memref<128x128xf32, #tpu.memory_space<vmem_shared>>)
      tpu.yield
    }) : () -> ()
    %add3A_14 = arith.constant 384 : i32
    %add3A_15 = arith.addi %mul3A_7, %add3A_14 : i32
    "tpu.region"() ({
      %run_scoped3A_25 = tpu.sem_alloc : memref<!tpu.dma_semaphore, #tpu.memory_space<semaphore_mem>>
      %dma_start3A = arith.constant 0 : i32
      %dma_start3A_26 = tpu.memref_slice %arg10[%add3A_15, %dma_start3A] : memref<10112x128xf32, #tpu.memory_space<vmem_shared>> -> memref<128x128xf32, #tpu.memory_space<vmem_shared>>
      %dma_start3A_27 = arith.constant 0 : i32
      %dma_start3A_28 = tpu.memref_slice %arg10[%add3A_15, %dma_start3A_27] : memref<10112x128xf32, #tpu.memory_space<vmem_shared>> -> memref<128x128xf32, #tpu.memory_space<vmem_shared>>
      tpu.enqueue_dma source(%arg8 : memref<128x128xf32, #tpu.memory_space<vmem>>) target(%dma_start3A_28 : memref<128x128xf32, #tpu.memory_space<vmem_shared>>) target_semaphore(%run_scoped3A_25 : memref<!tpu.dma_semaphore, #tpu.memory_space<semaphore_mem>>)
      %dma_wait3A = arith.constant 0 : i32
      %dma_wait3A_29 = tpu.memref_slice %arg10[%add3A_15, %dma_wait3A] : memref<10112x128xf32, #tpu.memory_space<vmem_shared>> -> memref<128x128xf32, #tpu.memory_space<vmem_shared>>
      %dma_wait3A_30 = arith.constant 0 : i32
      %dma_wait3A_31 = tpu.memref_slice %arg10[%add3A_15, %dma_wait3A_30] : memref<10112x128xf32, #tpu.memory_space<vmem_shared>> -> memref<128x128xf32, #tpu.memory_space<vmem_shared>>
      tpu.wait_dma2 semaphore(%run_scoped3A_25 : memref<!tpu.dma_semaphore, #tpu.memory_space<semaphore_mem>>) src(%arg8 : memref<128x128xf32, #tpu.memory_space<vmem>>) dst(%dma_wait3A_31 : memref<128x128xf32, #tpu.memory_space<vmem_shared>>)
      tpu.yield
    }) : () -> ()
    %add3A_16 = arith.constant 632 : i32
    %add3A_17 = arith.addi %mul3A_7, %add3A_16 : i32
    %sub3A = arith.constant 120 : i32
    %sub3A_18 = arith.subi %add3A_17, %sub3A : i32
    "tpu.region"() ({
      %run_scoped3A_25 = tpu.sem_alloc : memref<!tpu.dma_semaphore, #tpu.memory_space<semaphore_mem>>
      %dma_start3A = arith.constant 0 : i32
      %dma_start3A_26 = arith.constant 0 : i32
      %dma_start3A_27 = tpu.memref_slice %arg8[%dma_start3A, %dma_start3A_26] : memref<128x128xf32, #tpu.memory_space<vmem>> -> memref<120x128xf32, #tpu.memory_space<vmem>>
      %dma_start3A_28 = arith.constant 0 : i32
      %dma_start3A_29 = tpu.memref_slice %arg10[%sub3A_18, %dma_start3A_28] : memref<10112x128xf32, #tpu.memory_space<vmem_shared>> -> memref<120x128xf32, #tpu.memory_space<vmem_shared>>
      %dma_start3A_30 = arith.constant 0 : i32
      %dma_start3A_31 = tpu.memref_slice %arg10[%sub3A_18, %dma_start3A_30] : memref<10112x128xf32, #tpu.memory_space<vmem_shared>> -> memref<120x128xf32, #tpu.memory_space<vmem_shared>>
      %dma_start3A_32 = arith.constant 0 : i32
      %dma_start3A_33 = arith.constant 0 : i32
      %dma_start3A_34 = tpu.memref_slice %arg8[%dma_start3A_32, %dma_start3A_33] : memref<128x128xf32, #tpu.memory_space<vmem>> -> memref<120x128xf32, #tpu.memory_space<vmem>>
      tpu.enqueue_dma source(%dma_start3A_34 : memref<120x128xf32, #tpu.memory_space<vmem>>) target(%dma_start3A_31 : memref<120x128xf32, #tpu.memory_space<vmem_shared>>) target_semaphore(%run_scoped3A_25 : memref<!tpu.dma_semaphore, #tpu.memory_space<semaphore_mem>>)
      %dma_wait3A = arith.constant 0 : i32
      %dma_wait3A_35 = arith.constant 0 : i32
      %dma_wait3A_36 = tpu.memref_slice %arg8[%dma_wait3A, %dma_wait3A_35] : memref<128x128xf32, #tpu.memory_space<vmem>> -> memref<120x128xf32, #tpu.memory_space<vmem>>
      %dma_wait3A_37 = arith.constant 0 : i32
      %dma_wait3A_38 = tpu.memref_slice %arg10[%sub3A_18, %dma_wait3A_37] : memref<10112x128xf32, #tpu.memory_space<vmem_shared>> -> memref<120x128xf32, #tpu.memory_space<vmem_shared>>
      %dma_wait3A_39 = arith.constant 0 : i32
      %dma_wait3A_40 = tpu.memref_slice %arg10[%sub3A_18, %dma_wait3A_39] : memref<10112x128xf32, #tpu.memory_space<vmem_shared>> -> memref<120x128xf32, #tpu.memory_space<vmem_shared>>
      %dma_wait3A_41 = arith.constant 0 : i32
      %dma_wait3A_42 = arith.constant 0 : i32
      %dma_wait3A_43 = tpu.memref_slice %arg8[%dma_wait3A_41, %dma_wait3A_42] : memref<128x128xf32, #tpu.memory_space<vmem>> -> memref<120x128xf32, #tpu.memory_space<vmem>>
      tpu.wait_dma2 semaphore(%run_scoped3A_25 : memref<!tpu.dma_semaphore, #tpu.memory_space<semaphore_mem>>) src(%dma_wait3A_43 : memref<120x128xf32, #tpu.memory_space<vmem>>) dst(%dma_wait3A_40 : memref<120x128xf32, #tpu.memory_space<vmem_shared>>)
      tpu.yield
    }) : () -> ()
    %barrier3A = arith.constant 0 : index
    tpu.barrier barrier_id(%barrier3A)
    %scan3A_19 = arith.constant 0 : i32
    %scan3A_20 = arith.constant 5 : i32
    %scan3A_21 = arith.addi %scan3A_19, %scan3A_20 : i32
    %scan3A_22 = arith.constant 1 : i32
    scf.for %scan3A_25 = %scan3A_19 to %scan3A_21 step %scan3A_22  : i32 {
      %mul3A_26 = arith.constant 1 : i32
      %mul3A_27 = arith.muli %scan3A_25, %mul3A_26 : i32
      %add3A_28 = arith.constant 0 : i32
      %add3A_29 = arith.addi %add3A_28, %mul3A_27 : i32
      %jit3A = arith.constant 2 : i32
      %eq3A = arith.constant 0 : i32
      %eq3A_30 = arith.cmpi eq, %jit3A, %eq3A : i32
      %jit3A_31 = arith.constant 1 : i32
      %select_n3A = arith.select %eq3A_30, %jit3A_31, %jit3A : i32
      %rem3A = arith.remsi %add3A_29, %select_n3A : i32
      %ne3A = arith.constant 0 : i32
      %ne3A_32 = arith.cmpi ne, %rem3A, %ne3A : i32
      %lt3A = arith.constant 0 : i32
      %lt3A_33 = arith.cmpi slt, %rem3A, %lt3A : i32
      %lt3A_34 = arith.constant 0 : i32
      %lt3A_35 = arith.cmpi slt, %select_n3A, %lt3A_34 : i32
      %ne3A_36 = arith.xori %lt3A_33, %lt3A_35 : i1
      %and3A = arith.andi %ne3A_36, %ne3A_32 : i1
      %add3A_37 = arith.addi %rem3A, %select_n3A : i32
      %select_n3A_38 = arith.select %and3A, %add3A_37, %rem3A : i32
      %add3A_39 = arith.constant 1 : i32
      %add3A_40 = arith.addi %add3A_29, %add3A_39 : i32
      %lt3A_41 = arith.constant 5 : i32
      %lt3A_42 = arith.cmpi slt, %add3A_40, %lt3A_41 : i32
      %convert_element_type3A = arith.extui %lt3A_42 : i1 to i32
      %cond3A = arith.constant 0 : i32
      %cond3A_43 = arith.cmpi ne, %convert_element_type3A, %cond3A : i32
      scf.if %cond3A_43 {
        %add3A_62 = arith.constant 1 : i32
        %add3A_63 = arith.addi %add3A_29, %add3A_62 : i32
        %mul3A_64 = arith.constant 16 : i32
        %mul3A_65 = arith.muli %add3A_63, %mul3A_64 : i32
        %sub3A_66 = arith.constant 1 : i32
        %sub3A_67 = arith.subi %sub3A_66, %select_n3A_38 : i32
        %dma_start3A_68 = arith.constant 0 : i32
        %dma_start3A_69 = arith.constant 0 : i32
        %dma_start3A_70 = tpu.memref_slice %arg6[%sub3A_67, %dma_start3A_68, %dma_start3A_69] : memref<2x16x128xi32, #tpu.memory_space<vmem>> -> memref<1x16x128xi32, #tpu.memory_space<vmem>>
        %dma_start3A_71 = tpu.memref_squeeze %dma_start3A_70 : memref<1x16x128xi32, #tpu.memory_space<vmem>> -> memref<16x128xi32, #tpu.memory_space<vmem>>
        %dma_start3A_72 = arith.constant 0 : i32
        %dma_start3A_73 = tpu.memref_slice %arg3[%add3A, %mul3A_65, %dma_start3A_72] : memref<32x80x128xi32, #tpu.memory_space<hbm>> -> memref<1x16x128xi32, #tpu.memory_space<hbm>>
        %dma_start3A_74 = tpu.memref_squeeze %dma_start3A_73 : memref<1x16x128xi32, #tpu.memory_space<hbm>> -> memref<16x128xi32, #tpu.memory_space<hbm>>
        %dma_start3A_75 = arith.constant 0 : i32
        %dma_start3A_76 = arith.constant 0 : i32
        %dma_start3A_77 = tpu.memref_slice %arg6[%sub3A_67, %dma_start3A_75, %dma_start3A_76] : memref<2x16x128xi32, #tpu.memory_space<vmem>> -> memref<1x16x128xi32, #tpu.memory_space<vmem>>
        %dma_start3A_78 = tpu.memref_squeeze %dma_start3A_77 : memref<1x16x128xi32, #tpu.memory_space<vmem>> -> memref<16x128xi32, #tpu.memory_space<vmem>>
        %dma_start3A_79 = arith.constant 0 : i32
        %dma_start3A_80 = tpu.memref_slice %arg3[%add3A, %mul3A_65, %dma_start3A_79] : memref<32x80x128xi32, #tpu.memory_space<hbm>> -> memref<1x16x128xi32, #tpu.memory_space<hbm>>
        %dma_start3A_81 = tpu.memref_squeeze %dma_start3A_80 : memref<1x16x128xi32, #tpu.memory_space<hbm>> -> memref<16x128xi32, #tpu.memory_space<hbm>>
        tpu.enqueue_dma source(%dma_start3A_81 : memref<16x128xi32, #tpu.memory_space<hbm>>) target(%dma_start3A_78 : memref<16x128xi32, #tpu.memory_space<vmem>>) target_semaphore(%arg13 : memref<!tpu.dma_semaphore, #tpu.memory_space<semaphore_mem>>)
        %add3A_82 = arith.constant 1 : i32
        %add3A_83 = arith.addi %add3A_29, %add3A_82 : i32
        %mul3A_84 = arith.constant 16 : i32
        %mul3A_85 = arith.muli %add3A_83, %mul3A_84 : i32
        %sub3A_86 = arith.constant 1 : i32
        %sub3A_87 = arith.subi %sub3A_86, %select_n3A_38 : i32
        %dma_start3A_88 = arith.constant 0 : i32
        %dma_start3A_89 = arith.constant 0 : i32
        %dma_start3A_90 = tpu.memref_slice %arg7[%sub3A_87, %dma_start3A_88, %dma_start3A_89] : memref<2x16x128xi32, #tpu.memory_space<vmem>> -> memref<1x16x128xi32, #tpu.memory_space<vmem>>
        %dma_start3A_91 = tpu.memref_squeeze %dma_start3A_90 : memref<1x16x128xi32, #tpu.memory_space<vmem>> -> memref<16x128xi32, #tpu.memory_space<vmem>>
        %dma_start3A_92 = arith.constant 0 : i32
        %dma_start3A_93 = tpu.memref_slice %arg4[%add3A, %mul3A_85, %dma_start3A_92] : memref<32x80x128xi32, #tpu.memory_space<hbm>> -> memref<1x16x128xi32, #tpu.memory_space<hbm>>
        %dma_start3A_94 = tpu.memref_squeeze %dma_start3A_93 : memref<1x16x128xi32, #tpu.memory_space<hbm>> -> memref<16x128xi32, #tpu.memory_space<hbm>>
        %dma_start3A_95 = arith.constant 0 : i32
        %dma_start3A_96 = arith.constant 0 : i32
        %dma_start3A_97 = tpu.memref_slice %arg7[%sub3A_87, %dma_start3A_95, %dma_start3A_96] : memref<2x16x128xi32, #tpu.memory_space<vmem>> -> memref<1x16x128xi32, #tpu.memory_space<vmem>>
        %dma_start3A_98 = tpu.memref_squeeze %dma_start3A_97 : memref<1x16x128xi32, #tpu.memory_space<vmem>> -> memref<16x128xi32, #tpu.memory_space<vmem>>
        %dma_start3A_99 = arith.constant 0 : i32
        %dma_start3A_100 = tpu.memref_slice %arg4[%add3A, %mul3A_85, %dma_start3A_99] : memref<32x80x128xi32, #tpu.memory_space<hbm>> -> memref<1x16x128xi32, #tpu.memory_space<hbm>>
        %dma_start3A_101 = tpu.memref_squeeze %dma_start3A_100 : memref<1x16x128xi32, #tpu.memory_space<hbm>> -> memref<16x128xi32, #tpu.memory_space<hbm>>
        tpu.enqueue_dma source(%dma_start3A_101 : memref<16x128xi32, #tpu.memory_space<hbm>>) target(%dma_start3A_98 : memref<16x128xi32, #tpu.memory_space<vmem>>) target_semaphore(%arg14 : memref<!tpu.dma_semaphore, #tpu.memory_space<semaphore_mem>>)
      } else {
      }
      %dma_start3A = arith.constant 0 : i32
      %dma_start3A_44 = arith.constant 0 : i32
      %dma_start3A_45 = tpu.memref_slice %arg6[%select_n3A_38, %dma_start3A, %dma_start3A_44] : memref<2x16x128xi32, #tpu.memory_space<vmem>> -> memref<1x1x128xi32, #tpu.memory_space<vmem>>
      %dma_start3A_46 = tpu.memref_squeeze %dma_start3A_45 : memref<1x1x128xi32, #tpu.memory_space<vmem>> -> memref<128xi32, #tpu.memory_space<vmem>>
      %dma_start3A_47 = arith.constant 0 : i32
      %dma_start3A_48 = arith.constant 0 : i32
      %dma_start3A_49 = tpu.memref_slice %arg2[%dma_start3A_47, %dma_start3A_48] : memref<10000x128xf32, #tpu.memory_space<hbm>> -> memref<10000x128xf32, #tpu.memory_space<hbm>>
      tpu.enqueue_indirect_dma source(%dma_start3A_49 : memref<10000x128xf32, #tpu.memory_space<hbm>>) target(%arg8 : memref<128x128xf32, #tpu.memory_space<vmem>>) offsets(%dma_start3A_46 : memref<128xi32, #tpu.memory_space<vmem>>) semaphore(%arg11 : memref<!tpu.dma_semaphore, #tpu.memory_space<semaphore_mem>>)
      %scan3A_50 = arith.constant 0 : i32
      %scan3A_51 = arith.constant 8 : i32
      %scan3A_52 = arith.addi %scan3A_50, %scan3A_51 : i32
      %scan3A_53 = arith.constant 1 : i32
      scf.for %scan3A_62 = %scan3A_50 to %scan3A_52 step %scan3A_53  : i32 {
        %mul3A_63 = arith.constant 1 : i32
        %mul3A_64 = arith.muli %scan3A_62, %mul3A_63 : i32
        %add3A_65 = arith.constant 0 : i32
        %add3A_66 = arith.addi %add3A_65, %mul3A_64 : i32
        %mul3A_67 = arith.constant 2 : i32
        %mul3A_68 = arith.muli %add3A_66, %mul3A_67 : i32
        %add3A_69 = arith.constant 1 : i32
        %add3A_70 = arith.addi %mul3A_68, %add3A_69 : i32
        %dma_start3A_71 = arith.constant 0 : i32
        %dma_start3A_72 = tpu.memref_slice %arg6[%select_n3A_38, %add3A_70, %dma_start3A_71] : memref<2x16x128xi32, #tpu.memory_space<vmem>> -> memref<1x1x128xi32, #tpu.memory_space<vmem>>
        %dma_start3A_73 = tpu.memref_squeeze %dma_start3A_72 : memref<1x1x128xi32, #tpu.memory_space<vmem>> -> memref<128xi32, #tpu.memory_space<vmem>>
        %dma_start3A_74 = arith.constant 0 : i32
        %dma_start3A_75 = arith.constant 0 : i32
        %dma_start3A_76 = tpu.memref_slice %arg2[%dma_start3A_74, %dma_start3A_75] : memref<10000x128xf32, #tpu.memory_space<hbm>> -> memref<10000x128xf32, #tpu.memory_space<hbm>>
        tpu.enqueue_indirect_dma source(%dma_start3A_76 : memref<10000x128xf32, #tpu.memory_space<hbm>>) target(%arg9 : memref<128x128xf32, #tpu.memory_space<vmem>>) offsets(%dma_start3A_73 : memref<128xi32, #tpu.memory_space<vmem>>) semaphore(%arg12 : memref<!tpu.dma_semaphore, #tpu.memory_space<semaphore_mem>>)
        %dma_wait3A = arith.constant 0 : i32
        %dma_wait3A_77 = tpu.memref_slice %arg6[%select_n3A_38, %mul3A_68, %dma_wait3A] : memref<2x16x128xi32, #tpu.memory_space<vmem>> -> memref<1x1x128xi32, #tpu.memory_space<vmem>>
        %dma_wait3A_78 = tpu.memref_squeeze %dma_wait3A_77 : memref<1x1x128xi32, #tpu.memory_space<vmem>> -> memref<128xi32, #tpu.memory_space<vmem>>
        %dma_wait3A_79 = arith.constant 0 : i32
        %dma_wait3A_80 = arith.constant 0 : i32
        %dma_wait3A_81 = tpu.memref_slice %arg2[%dma_wait3A_79, %dma_wait3A_80] : memref<10000x128xf32, #tpu.memory_space<hbm>> -> memref<10000x128xf32, #tpu.memory_space<hbm>>
        tpu.wait_indirect_dma semaphore(%arg11 : memref<!tpu.dma_semaphore, #tpu.memory_space<semaphore_mem>>) src(%dma_wait3A_81 : memref<10000x128xf32, #tpu.memory_space<hbm>>) dst(%arg8 : memref<128x128xf32, #tpu.memory_space<vmem>>)
        "tpu.region"() ({
          %run_scoped3A_97 = tpu.sem_alloc : memref<!tpu.dma_semaphore, #tpu.memory_space<semaphore_mem>>
          %dma_start3A_98 = arith.constant 0 : i32
          %dma_start3A_99 = tpu.memref_slice %arg7[%select_n3A_38, %mul3A_68, %dma_start3A_98] : memref<2x16x128xi32, #tpu.memory_space<vmem>> -> memref<1x1x128xi32, #tpu.memory_space<vmem>>
          %dma_start3A_100 = tpu.memref_squeeze %dma_start3A_99 : memref<1x1x128xi32, #tpu.memory_space<vmem>> -> memref<128xi32, #tpu.memory_space<vmem>>
          %dma_start3A_101 = arith.constant 0 : i32
          %dma_start3A_102 = arith.constant 0 : i32
          %dma_start3A_103 = tpu.memref_slice %arg10[%dma_start3A_101, %dma_start3A_102] : memref<10112x128xf32, #tpu.memory_space<vmem_shared>> -> memref<10112x128xf32, #tpu.memory_space<vmem_shared>>
          tpu.enqueue_indirect_dma source(%arg8 : memref<128x128xf32, #tpu.memory_space<vmem>>) target(%dma_start3A_103 : memref<10112x128xf32, #tpu.memory_space<vmem_shared>>) offsets(%dma_start3A_100 : memref<128xi32, #tpu.memory_space<vmem>>) semaphore(%run_scoped3A_97 : memref<!tpu.dma_semaphore, #tpu.memory_space<semaphore_mem>>) {add = true}
          %dma_wait3A_104 = arith.constant 0 : i32
          %dma_wait3A_105 = tpu.memref_slice %arg7[%select_n3A_38, %mul3A_68, %dma_wait3A_104] : memref<2x16x128xi32, #tpu.memory_space<vmem>> -> memref<1x1x128xi32, #tpu.memory_space<vmem>>
          %dma_wait3A_106 = tpu.memref_squeeze %dma_wait3A_105 : memref<1x1x128xi32, #tpu.memory_space<vmem>> -> memref<128xi32, #tpu.memory_space<vmem>>
          %dma_wait3A_107 = arith.constant 0 : i32
          %dma_wait3A_108 = arith.constant 0 : i32
          %dma_wait3A_109 = tpu.memref_slice %arg10[%dma_wait3A_107, %dma_wait3A_108] : memref<10112x128xf32, #tpu.memory_space<vmem_shared>> -> memref<10112x128xf32, #tpu.memory_space<vmem_shared>>
          tpu.wait_indirect_dma semaphore(%run_scoped3A_97 : memref<!tpu.dma_semaphore, #tpu.memory_space<semaphore_mem>>) src(%arg8 : memref<128x128xf32, #tpu.memory_space<vmem>>) dst(%dma_wait3A_109 : memref<10112x128xf32, #tpu.memory_space<vmem_shared>>)
          tpu.yield
        }) : () -> ()
        %add3A_82 = arith.constant 2 : i32
        %add3A_83 = arith.addi %mul3A_68, %add3A_82 : i32
        %lt3A_84 = arith.constant 16 : i32
        %lt3A_85 = arith.cmpi slt, %add3A_83, %lt3A_84 : i32
        %convert_element_type3A_86 = arith.extui %lt3A_85 : i1 to i32
        %cond3A_87 = arith.constant 0 : i32
        %cond3A_88 = arith.cmpi ne, %convert_element_type3A_86, %cond3A_87 : i32
        scf.if %cond3A_88 {
          %add3A_97 = arith.constant 2 : i32
          %add3A_98 = arith.addi %mul3A_68, %add3A_97 : i32
          %dma_start3A_99 = arith.constant 0 : i32
          %dma_start3A_100 = tpu.memref_slice %arg6[%select_n3A_38, %add3A_98, %dma_start3A_99] : memref<2x16x128xi32, #tpu.memory_space<vmem>> -> memref<1x1x128xi32, #tpu.memory_space<vmem>>
          %dma_start3A_101 = tpu.memref_squeeze %dma_start3A_100 : memref<1x1x128xi32, #tpu.memory_space<vmem>> -> memref<128xi32, #tpu.memory_space<vmem>>
          %dma_start3A_102 = arith.constant 0 : i32
          %dma_start3A_103 = arith.constant 0 : i32
          %dma_start3A_104 = tpu.memref_slice %arg2[%dma_start3A_102, %dma_start3A_103] : memref<10000x128xf32, #tpu.memory_space<hbm>> -> memref<10000x128xf32, #tpu.memory_space<hbm>>
          tpu.enqueue_indirect_dma source(%dma_start3A_104 : memref<10000x128xf32, #tpu.memory_space<hbm>>) target(%arg8 : memref<128x128xf32, #tpu.memory_space<vmem>>) offsets(%dma_start3A_101 : memref<128xi32, #tpu.memory_space<vmem>>) semaphore(%arg11 : memref<!tpu.dma_semaphore, #tpu.memory_space<semaphore_mem>>)
        } else {
        }
        %dma_wait3A_89 = arith.constant 0 : i32
        %dma_wait3A_90 = tpu.memref_slice %arg6[%select_n3A_38, %add3A_70, %dma_wait3A_89] : memref<2x16x128xi32, #tpu.memory_space<vmem>> -> memref<1x1x128xi32, #tpu.memory_space<vmem>>
        %dma_wait3A_91 = tpu.memref_squeeze %dma_wait3A_90 : memref<1x1x128xi32, #tpu.memory_space<vmem>> -> memref<128xi32, #tpu.memory_space<vmem>>
        %dma_wait3A_92 = arith.constant 0 : i32
        %dma_wait3A_93 = arith.constant 0 : i32
        %dma_wait3A_94 = tpu.memref_slice %arg2[%dma_wait3A_92, %dma_wait3A_93] : memref<10000x128xf32, #tpu.memory_space<hbm>> -> memref<10000x128xf32, #tpu.memory_space<hbm>>
        tpu.wait_indirect_dma semaphore(%arg12 : memref<!tpu.dma_semaphore, #tpu.memory_space<semaphore_mem>>) src(%dma_wait3A_94 : memref<10000x128xf32, #tpu.memory_space<hbm>>) dst(%arg9 : memref<128x128xf32, #tpu.memory_space<vmem>>)
        %add3A_95 = arith.constant 1 : i32
        %add3A_96 = arith.addi %mul3A_68, %add3A_95 : i32
        "tpu.region"() ({
          %run_scoped3A_97 = tpu.sem_alloc : memref<!tpu.dma_semaphore, #tpu.memory_space<semaphore_mem>>
          %dma_start3A_98 = arith.constant 0 : i32
          %dma_start3A_99 = tpu.memref_slice %arg7[%select_n3A_38, %add3A_96, %dma_start3A_98] : memref<2x16x128xi32, #tpu.memory_space<vmem>> -> memref<1x1x128xi32, #tpu.memory_space<vmem>>
          %dma_start3A_100 = tpu.memref_squeeze %dma_start3A_99 : memref<1x1x128xi32, #tpu.memory_space<vmem>> -> memref<128xi32, #tpu.memory_space<vmem>>
          %dma_start3A_101 = arith.constant 0 : i32
          %dma_start3A_102 = arith.constant 0 : i32
          %dma_start3A_103 = tpu.memref_slice %arg10[%dma_start3A_101, %dma_start3A_102] : memref<10112x128xf32, #tpu.memory_space<vmem_shared>> -> memref<10112x128xf32, #tpu.memory_space<vmem_shared>>
          tpu.enqueue_indirect_dma source(%arg9 : memref<128x128xf32, #tpu.memory_space<vmem>>) target(%dma_start3A_103 : memref<10112x128xf32, #tpu.memory_space<vmem_shared>>) offsets(%dma_start3A_100 : memref<128xi32, #tpu.memory_space<vmem>>) semaphore(%run_scoped3A_97 : memref<!tpu.dma_semaphore, #tpu.memory_space<semaphore_mem>>) {add = true}
          %dma_wait3A_104 = arith.constant 0 : i32
          %dma_wait3A_105 = tpu.memref_slice %arg7[%select_n3A_38, %add3A_96, %dma_wait3A_104] : memref<2x16x128xi32, #tpu.memory_space<vmem>> -> memref<1x1x128xi32, #tpu.memory_space<vmem>>
          %dma_wait3A_106 = tpu.memref_squeeze %dma_wait3A_105 : memref<1x1x128xi32, #tpu.memory_space<vmem>> -> memref<128xi32, #tpu.memory_space<vmem>>
          %dma_wait3A_107 = arith.constant 0 : i32
          %dma_wait3A_108 = arith.constant 0 : i32
          %dma_wait3A_109 = tpu.memref_slice %arg10[%dma_wait3A_107, %dma_wait3A_108] : memref<10112x128xf32, #tpu.memory_space<vmem_shared>> -> memref<10112x128xf32, #tpu.memory_space<vmem_shared>>
          tpu.wait_indirect_dma semaphore(%run_scoped3A_97 : memref<!tpu.dma_semaphore, #tpu.memory_space<semaphore_mem>>) src(%arg9 : memref<128x128xf32, #tpu.memory_space<vmem>>) dst(%dma_wait3A_109 : memref<10112x128xf32, #tpu.memory_space<vmem_shared>>)
          tpu.yield
        }) : () -> ()
      }
      %scan3A_54 = arith.constant 8 : i32
      %add3A_55 = arith.constant 1 : i32
      %add3A_56 = arith.addi %add3A_29, %add3A_55 : i32
      %lt3A_57 = arith.constant 5 : i32
      %lt3A_58 = arith.cmpi slt, %add3A_56, %lt3A_57 : i32
      %convert_element_type3A_59 = arith.extui %lt3A_58 : i1 to i32
      %cond3A_60 = arith.constant 0 : i32
      %cond3A_61 = arith.cmpi ne, %convert_element_type3A_59, %cond3A_60 : i32
      scf.if %cond3A_61 {
        %dma_wait3A = arith.constant 0 : i32
        %dma_wait3A_62 = arith.constant 0 : i32
        %dma_wait3A_63 = arith.constant 0 : i32
        %dma_wait3A_64 = tpu.memref_slice %arg6[%dma_wait3A, %dma_wait3A_62, %dma_wait3A_63] : memref<2x16x128xi32, #tpu.memory_space<vmem>> -> memref<1x16x128xi32, #tpu.memory_space<vmem>>
        %dma_wait3A_65 = tpu.memref_squeeze %dma_wait3A_64 : memref<1x16x128xi32, #tpu.memory_space<vmem>> -> memref<16x128xi32, #tpu.memory_space<vmem>>
        %dma_wait3A_66 = arith.constant 0 : i32
        %dma_wait3A_67 = arith.constant 0 : i32
        %dma_wait3A_68 = tpu.memref_slice %arg3[%add3A, %dma_wait3A_66, %dma_wait3A_67] : memref<32x80x128xi32, #tpu.memory_space<hbm>> -> memref<1x16x128xi32, #tpu.memory_space<hbm>>
        %dma_wait3A_69 = tpu.memref_squeeze %dma_wait3A_68 : memref<1x16x128xi32, #tpu.memory_space<hbm>> -> memref<16x128xi32, #tpu.memory_space<hbm>>
        %dma_wait3A_70 = arith.constant 0 : i32
        %dma_wait3A_71 = arith.constant 0 : i32
        %dma_wait3A_72 = tpu.memref_slice %arg6[%dma_wait3A, %dma_wait3A_70, %dma_wait3A_71] : memref<2x16x128xi32, #tpu.memory_space<vmem>> -> memref<1x16x128xi32, #tpu.memory_space<vmem>>
        %dma_wait3A_73 = tpu.memref_squeeze %dma_wait3A_72 : memref<1x16x128xi32, #tpu.memory_space<vmem>> -> memref<16x128xi32, #tpu.memory_space<vmem>>
        %dma_wait3A_74 = arith.constant 0 : i32
        %dma_wait3A_75 = arith.constant 0 : i32
        %dma_wait3A_76 = tpu.memref_slice %arg3[%add3A, %dma_wait3A_74, %dma_wait3A_75] : memref<32x80x128xi32, #tpu.memory_space<hbm>> -> memref<1x16x128xi32, #tpu.memory_space<hbm>>
        %dma_wait3A_77 = tpu.memref_squeeze %dma_wait3A_76 : memref<1x16x128xi32, #tpu.memory_space<hbm>> -> memref<16x128xi32, #tpu.memory_space<hbm>>
        tpu.wait_dma2 semaphore(%arg13 : memref<!tpu.dma_semaphore, #tpu.memory_space<semaphore_mem>>) src(%dma_wait3A_77 : memref<16x128xi32, #tpu.memory_space<hbm>>) dst(%dma_wait3A_73 : memref<16x128xi32, #tpu.memory_space<vmem>>)
        %dma_wait3A_78 = arith.constant 0 : i32
        %dma_wait3A_79 = arith.constant 0 : i32
        %dma_wait3A_80 = arith.constant 0 : i32
        %dma_wait3A_81 = tpu.memref_slice %arg7[%dma_wait3A_78, %dma_wait3A_79, %dma_wait3A_80] : memref<2x16x128xi32, #tpu.memory_space<vmem>> -> memref<1x16x128xi32, #tpu.memory_space<vmem>>
        %dma_wait3A_82 = tpu.memref_squeeze %dma_wait3A_81 : memref<1x16x128xi32, #tpu.memory_space<vmem>> -> memref<16x128xi32, #tpu.memory_space<vmem>>
        %dma_wait3A_83 = arith.constant 0 : i32
        %dma_wait3A_84 = arith.constant 0 : i32
        %dma_wait3A_85 = tpu.memref_slice %arg4[%add3A, %dma_wait3A_83, %dma_wait3A_84] : memref<32x80x128xi32, #tpu.memory_space<hbm>> -> memref<1x16x128xi32, #tpu.memory_space<hbm>>
        %dma_wait3A_86 = tpu.memref_squeeze %dma_wait3A_85 : memref<1x16x128xi32, #tpu.memory_space<hbm>> -> memref<16x128xi32, #tpu.memory_space<hbm>>
        %dma_wait3A_87 = arith.constant 0 : i32
        %dma_wait3A_88 = arith.constant 0 : i32
        %dma_wait3A_89 = tpu.memref_slice %arg7[%dma_wait3A_78, %dma_wait3A_87, %dma_wait3A_88] : memref<2x16x128xi32, #tpu.memory_space<vmem>> -> memref<1x16x128xi32, #tpu.memory_space<vmem>>
        %dma_wait3A_90 = tpu.memref_squeeze %dma_wait3A_89 : memref<1x16x128xi32, #tpu.memory_space<vmem>> -> memref<16x128xi32, #tpu.memory_space<vmem>>
        %dma_wait3A_91 = arith.constant 0 : i32
        %dma_wait3A_92 = arith.constant 0 : i32
        %dma_wait3A_93 = tpu.memref_slice %arg4[%add3A, %dma_wait3A_91, %dma_wait3A_92] : memref<32x80x128xi32, #tpu.memory_space<hbm>> -> memref<1x16x128xi32, #tpu.memory_space<hbm>>
        %dma_wait3A_94 = tpu.memref_squeeze %dma_wait3A_93 : memref<1x16x128xi32, #tpu.memory_space<hbm>> -> memref<16x128xi32, #tpu.memory_space<hbm>>
        tpu.wait_dma2 semaphore(%arg14 : memref<!tpu.dma_semaphore, #tpu.memory_space<semaphore_mem>>) src(%dma_wait3A_94 : memref<16x128xi32, #tpu.memory_space<hbm>>) dst(%dma_wait3A_90 : memref<16x128xi32, #tpu.memory_space<vmem>>)
      } else {
      }
    }
    %scan3A_23 = arith.constant 5 : i32
    %barrier3A_24 = arith.constant 0 : index
    tpu.barrier barrier_id(%barrier3A_24)
    "tpu.region"() ({
      %run_scoped3A_25 = tpu.sem_alloc : memref<!tpu.dma_semaphore, #tpu.memory_space<semaphore_mem>>
      %dma_start3A = arith.constant 0 : i32
      %dma_start3A_26 = tpu.memref_slice %arg5[%arg0, %mul3A_7, %dma_start3A] : memref<2x10112x128xf32, #tpu.memory_space<hbm>> -> memref<1x632x128xf32, #tpu.memory_space<hbm>>
      %dma_start3A_27 = tpu.memref_squeeze %dma_start3A_26 : memref<1x632x128xf32, #tpu.memory_space<hbm>> -> memref<632x128xf32, #tpu.memory_space<hbm>>
      %dma_start3A_28 = arith.constant 0 : i32
      %dma_start3A_29 = tpu.memref_slice %arg10[%mul3A_7, %dma_start3A_28] : memref<10112x128xf32, #tpu.memory_space<vmem_shared>> -> memref<632x128xf32, #tpu.memory_space<vmem_shared>>
      tpu.enqueue_dma source(%dma_start3A_29 : memref<632x128xf32, #tpu.memory_space<vmem_shared>>) target(%dma_start3A_27 : memref<632x128xf32, #tpu.memory_space<hbm>>) target_semaphore(%run_scoped3A_25 : memref<!tpu.dma_semaphore, #tpu.memory_space<semaphore_mem>>)
      %dma_wait3A = arith.constant 0 : i32
      %dma_wait3A_30 = tpu.memref_slice %arg5[%arg0, %mul3A_7, %dma_wait3A] : memref<2x10112x128xf32, #tpu.memory_space<hbm>> -> memref<1x632x128xf32, #tpu.memory_space<hbm>>
      %dma_wait3A_31 = tpu.memref_squeeze %dma_wait3A_30 : memref<1x632x128xf32, #tpu.memory_space<hbm>> -> memref<632x128xf32, #tpu.memory_space<hbm>>
      %dma_wait3A_32 = arith.constant 0 : i32
      %dma_wait3A_33 = tpu.memref_slice %arg10[%mul3A_7, %dma_wait3A_32] : memref<10112x128xf32, #tpu.memory_space<vmem_shared>> -> memref<632x128xf32, #tpu.memory_space<vmem_shared>>
      tpu.wait_dma2 semaphore(%run_scoped3A_25 : memref<!tpu.dma_semaphore, #tpu.memory_space<semaphore_mem>>) src(%dma_wait3A_33 : memref<632x128xf32, #tpu.memory_space<vmem_shared>>) dst(%dma_wait3A_31 : memref<632x128xf32, #tpu.memory_space<hbm>>)
      tpu.yield
    }) : () -> ()
    return
  }
}

module attributes {stable_mosaic.version = 14 : i64} {
  func.func @_linear_body(%arg0: i32, %arg1: memref<2000x128xf32, #tpu.memory_space<vmem>>, %arg2: memref<128x128xf32, #tpu.memory_space<vmem>>, %arg3: memref<1x128xf32, #tpu.memory_space<vmem>>, %arg4: memref<1x128xf32, #tpu.memory_space<vmem>>, %arg5: memref<2000x128xf32, #tpu.memory_space<vmem>>) attributes {dimension_semantics = [#tpu.dimension_semantics<arbitrary>], iteration_bounds = array<i64: 5>, scalar_prefetch = 0 : i64, scratch_operands = 0 : i64, tpu.core_type = #tpu.core_type<tc>, window_params = [{transform_indices = @transform_0, window_bounds = array<i64: 2000, 128>}, {pipeline_mode = #tpu.pipeline_mode<synchronous>, transform_indices = @transform_1, window_bounds = array<i64: 128, 128>}, {pipeline_mode = #tpu.pipeline_mode<synchronous>, transform_indices = @transform_2, window_bounds = array<i64: 1, 128>}, {pipeline_mode = #tpu.pipeline_mode<synchronous>, transform_indices = @transform_3, window_bounds = array<i64: 1, 128>}, {transform_indices = @transform_4, window_bounds = array<i64: 2000, 128>}]} {
    %get3A = arith.constant 0 : index
    %get3A_0 = arith.constant 0 : index
    %get3A_1 = vector.load %arg1[%get3A, %get3A_0] : memref<2000x128xf32, #tpu.memory_space<vmem>>, vector<2000x128xf32>
    %get3A_2 = arith.constant 0 : index
    %get3A_3 = arith.constant 0 : index
    %get3A_4 = vector.load %arg2[%get3A_2, %get3A_3] : memref<128x128xf32, #tpu.memory_space<vmem>>, vector<128x128xf32>
    %dot_general3A = arith.constant dense<0.000000e+00> : vector<2000x128xf32>
    %dot_general3A_5 = tpu.matmul %get3A_1, %get3A_4, %dot_general3A {dimension_numbers = #tpu.dot_dimension_numbers<[1], [0], [0], [1], [0, 0, 1, 1], [], []>, precision = #tpu.contract_precision<fp32>, transpose_lhs_hint = false} : vector<2000x128xf32>, vector<128x128xf32>, vector<2000x128xf32> -> vector<2000x128xf32>
    %get3A_6 = arith.constant 0 : index
    %get3A_7 = arith.constant 0 : index
    %get3A_8 = vector.load %arg3[%get3A_6, %get3A_7] : memref<1x128xf32, #tpu.memory_space<vmem>>, vector<1x128xf32>
    %add3A = vector.broadcast %get3A_8 : vector<1x128xf32> to vector<2000x128xf32>
    %add3A_9 = arith.addf %dot_general3A_5, %add3A : vector<2000x128xf32>
    %get3A_10 = arith.constant 0 : index
    %get3A_11 = arith.constant 0 : index
    %get3A_12 = vector.load %arg4[%get3A_10, %get3A_11] : memref<1x128xf32, #tpu.memory_space<vmem>>, vector<1x128xf32>
    %add3A_13 = vector.broadcast %get3A_12 : vector<1x128xf32> to vector<2000x128xf32>
    %add3A_14 = arith.addf %add3A_9, %add3A_13 : vector<2000x128xf32>
    %swap3A = arith.constant 0 : index
    %swap3A_15 = arith.constant 0 : index
    %swap3A_16 = vector.load %arg5[%swap3A, %swap3A_15] : memref<2000x128xf32, #tpu.memory_space<vmem>>, vector<2000x128xf32>
    tpu.vector_store %arg5[%swap3A, %swap3A_15], %add3A_14 {strides = array<i32>} : memref<2000x128xf32, #tpu.memory_space<vmem>>, vector<2000x128xf32>,
    return
  }
  func.func @transform_0(%arg0: i32) -> (i32, i32) {
    %c0_i32 = arith.constant 0 : i32
    %c0_i32_0 = arith.constant 0 : i32
    return %arg0, %c0_i32 : i32, i32
  }
  func.func @transform_1(%arg0: i32) -> (i32, i32) {
    %c0_i32 = arith.constant 0 : i32
    %c0_i32_0 = arith.constant 0 : i32
    %c0_i32_1 = arith.constant 0 : i32
    return %c0_i32, %c0_i32_0 : i32, i32
  }
  func.func @transform_2(%arg0: i32) -> (i32, i32) {
    %c0_i32 = arith.constant 0 : i32
    %c0_i32_0 = arith.constant 0 : i32
    %c0_i32_1 = arith.constant 0 : i32
    return %c0_i32, %c0_i32_0 : i32, i32
  }
  func.func @transform_3(%arg0: i32) -> (i32, i32) {
    %c0_i32 = arith.constant 0 : i32
    %c0_i32_0 = arith.constant 0 : i32
    %c0_i32_1 = arith.constant 0 : i32
    return %c0_i32, %c0_i32_0 : i32, i32
  }
  func.func @transform_4(%arg0: i32) -> (i32, i32) {
    %c0_i32 = arith.constant 0 : i32
    %c0_i32_0 = arith.constant 0 : i32
    return %arg0, %c0_i32 : i32, i32
  }
}

module attributes {stable_mosaic.version = 14 : i64} {
  func.func @_combine_body(%arg0: i32, %arg1: memref<2000x128xf32, #tpu.memory_space<vmem>>, %arg2: memref<2000x128xf32, #tpu.memory_space<vmem>>, %arg3: memref<2000x1xf32, #tpu.memory_space<vmem>>, %arg4: memref<2000x1xf32, #tpu.memory_space<vmem>>, %arg5: memref<2000x128xf32, #tpu.memory_space<vmem>>, %arg6: memref<128x128xf32, #tpu.memory_space<vmem>>, %arg7: memref<2000x128xf32, #tpu.memory_space<vmem>>) attributes {dimension_semantics = [#tpu.dimension_semantics<arbitrary>], iteration_bounds = array<i64: 5>, scalar_prefetch = 0 : i64, scratch_operands = 0 : i64, tpu.core_type = #tpu.core_type<tc>, window_params = [{transform_indices = @transform_0, window_bounds = array<i64: 2000, 128>}, {transform_indices = @transform_1, window_bounds = array<i64: 2000, 128>}, {transform_indices = @transform_2, window_bounds = array<i64: 2000, 1>}, {transform_indices = @transform_3, window_bounds = array<i64: 2000, 1>}, {transform_indices = @transform_4, window_bounds = array<i64: 2000, 128>}, {pipeline_mode = #tpu.pipeline_mode<synchronous>, transform_indices = @transform_5, window_bounds = array<i64: 128, 128>}, {transform_indices = @transform_6, window_bounds = array<i64: 2000, 128>}]} {
    %get3A = arith.constant 0 : index
    %get3A_0 = arith.constant 0 : index
    %get3A_1 = vector.load %arg3[%get3A, %get3A_0] : memref<2000x1xf32, #tpu.memory_space<vmem>>, vector<2000x1xf32>
    %get3A_2 = arith.constant 0 : index
    %get3A_3 = arith.constant 0 : index
    %get3A_4 = vector.load %arg4[%get3A_2, %get3A_3] : memref<2000x1xf32, #tpu.memory_space<vmem>>, vector<2000x1xf32>
    %add3A = arith.addf %get3A_1, %get3A_4 : vector<2000x1xf32>
    %max3A = arith.constant 1.000000e+00 : f32
    %max3A_5 = vector.broadcast %max3A : f32 to vector<2000x1xf32>
    %max3A_6 = arith.maximumf %add3A, %max3A_5 : vector<2000x1xf32>
    %get3A_7 = arith.constant 0 : index
    %get3A_8 = arith.constant 0 : index
    %get3A_9 = vector.load %arg1[%get3A_7, %get3A_8] : memref<2000x128xf32, #tpu.memory_space<vmem>>, vector<2000x128xf32>
    %get3A_10 = arith.constant 0 : index
    %get3A_11 = arith.constant 0 : index
    %get3A_12 = vector.load %arg2[%get3A_10, %get3A_11] : memref<2000x128xf32, #tpu.memory_space<vmem>>, vector<2000x128xf32>
    %add3A_13 = arith.addf %get3A_9, %get3A_12 : vector<2000x128xf32>
    %div3A = vector.broadcast %max3A_6 : vector<2000x1xf32> to vector<2000x128xf32>
    %div3A_14 = arith.divf %add3A_13, %div3A : vector<2000x128xf32>
    %get3A_15 = arith.constant 0 : index
    %get3A_16 = arith.constant 0 : index
    %get3A_17 = vector.load %arg6[%get3A_15, %get3A_16] : memref<128x128xf32, #tpu.memory_space<vmem>>, vector<128x128xf32>
    %dot_general3A = arith.constant dense<0.000000e+00> : vector<2000x128xf32>
    %dot_general3A_18 = tpu.matmul %div3A_14, %get3A_17, %dot_general3A {dimension_numbers = #tpu.dot_dimension_numbers<[1], [0], [0], [1], [0, 0, 1, 1], [], []>, precision = #tpu.contract_precision<fp32>, transpose_lhs_hint = false} : vector<2000x128xf32>, vector<128x128xf32>, vector<2000x128xf32> -> vector<2000x128xf32>
    %get3A_19 = arith.constant 0 : index
    %get3A_20 = arith.constant 0 : index
    %get3A_21 = vector.load %arg5[%get3A_19, %get3A_20] : memref<2000x128xf32, #tpu.memory_space<vmem>>, vector<2000x128xf32>
    %add3A_22 = arith.addf %dot_general3A_18, %get3A_21 : vector<2000x128xf32>
    %max3A_23 = arith.constant 0.000000e+00 : f32
    %max3A_24 = vector.broadcast %max3A_23 : f32 to vector<2000x128xf32>
    %max3A_25 = arith.maximumf %add3A_22, %max3A_24 : vector<2000x128xf32>
    %swap3A = arith.constant 0 : index
    %swap3A_26 = arith.constant 0 : index
    %swap3A_27 = vector.load %arg7[%swap3A, %swap3A_26] : memref<2000x128xf32, #tpu.memory_space<vmem>>, vector<2000x128xf32>
    tpu.vector_store %arg7[%swap3A, %swap3A_26], %max3A_25 {strides = array<i32>} : memref<2000x128xf32, #tpu.memory_space<vmem>>, vector<2000x128xf32>,
    return
  }
  func.func @transform_0(%arg0: i32) -> (i32, i32) {
    %c0_i32 = arith.constant 0 : i32
    %c0_i32_0 = arith.constant 0 : i32
    return %arg0, %c0_i32 : i32, i32
  }
  func.func @transform_1(%arg0: i32) -> (i32, i32) {
    %c0_i32 = arith.constant 0 : i32
    %c0_i32_0 = arith.constant 0 : i32
    return %arg0, %c0_i32 : i32, i32
  }
  func.func @transform_2(%arg0: i32) -> (i32, i32) {
    %c0_i32 = arith.constant 0 : i32
    %c0_i32_0 = arith.constant 0 : i32
    return %arg0, %c0_i32 : i32, i32
  }
  func.func @transform_3(%arg0: i32) -> (i32, i32) {
    %c0_i32 = arith.constant 0 : i32
    %c0_i32_0 = arith.constant 0 : i32
    return %arg0, %c0_i32 : i32, i32
  }
  func.func @transform_4(%arg0: i32) -> (i32, i32) {
    %c0_i32 = arith.constant 0 : i32
    %c0_i32_0 = arith.constant 0 : i32
    return %arg0, %c0_i32 : i32, i32
  }
  func.func @transform_5(%arg0: i32) -> (i32, i32) {
    %c0_i32 = arith.constant 0 : i32
    %c0_i32_0 = arith.constant 0 : i32
    %c0_i32_1 = arith.constant 0 : i32
    return %c0_i32, %c0_i32_0 : i32, i32
  }
  func.func @transform_6(%arg0: i32) -> (i32, i32) {
    %c0_i32 = arith.constant 0 : i32
    %c0_i32_0 = arith.constant 0 : i32
    return %arg0, %c0_i32 : i32, i32
  }
}

module attributes {stable_mosaic.version = 14 : i64} {
  func.func @_combine_readout_body(%arg0: i32, %arg1: memref<2000x128xf32, #tpu.memory_space<vmem>>, %arg2: memref<2000x128xf32, #tpu.memory_space<vmem>>, %arg3: memref<2000x1xf32, #tpu.memory_space<vmem>>, %arg4: memref<2000x1xf32, #tpu.memory_space<vmem>>, %arg5: memref<2000x128xf32, #tpu.memory_space<vmem>>, %arg6: memref<128x128xf32, #tpu.memory_space<vmem>>, %arg7: memref<2000x1xi32, #tpu.memory_space<vmem>>, %arg8: memref<64x128xf32, #tpu.memory_space<vmem>>, %arg9: memref<64x128xf32, #tpu.memory_space<vmem>>, %arg10: memref<64x128xf32, #tpu.memory_space<vmem>>) attributes {dimension_semantics = [#tpu.dimension_semantics<arbitrary>], iteration_bounds = array<i64: 5>, scalar_prefetch = 0 : i64, scratch_operands = 2 : i64, tpu.core_type = #tpu.core_type<tc>, window_params = [{transform_indices = @transform_0, window_bounds = array<i64: 2000, 128>}, {transform_indices = @transform_1, window_bounds = array<i64: 2000, 128>}, {transform_indices = @transform_2, window_bounds = array<i64: 2000, 1>}, {transform_indices = @transform_3, window_bounds = array<i64: 2000, 1>}, {transform_indices = @transform_4, window_bounds = array<i64: 2000, 128>}, {pipeline_mode = #tpu.pipeline_mode<synchronous>, transform_indices = @transform_5, window_bounds = array<i64: 128, 128>}, {transform_indices = @transform_6, window_bounds = array<i64: 2000, 1>}, {pipeline_mode = #tpu.pipeline_mode<synchronous>, transform_indices = @transform_7, window_bounds = array<i64: 64, 128>}]} {
    %eq3A = arith.constant 0 : i32
    %eq3A_0 = arith.cmpi eq, %arg0, %eq3A : i32
    %convert_element_type3A = arith.extui %eq3A_0 : i1 to i32
    %cond3A = arith.constant 0 : i32
    %cond3A_1 = arith.cmpi ne, %convert_element_type3A, %cond3A : i32
    scf.if %cond3A_1 {
      %broadcast_in_dim3A_57 = arith.constant 0.000000e+00 : f32
      %broadcast_in_dim3A_58 = vector.broadcast %broadcast_in_dim3A_57 : f32 to vector<64x128xf32>
      %swap3A_59 = arith.constant 0 : index
      %swap3A_60 = arith.constant 0 : index
      %swap3A_61 = vector.load %arg9[%swap3A_59, %swap3A_60] : memref<64x128xf32, #tpu.memory_space<vmem>>, vector<64x128xf32>
      tpu.vector_store %arg9[%swap3A_59, %swap3A_60], %broadcast_in_dim3A_58 {strides = array<i32>} : memref<64x128xf32, #tpu.memory_space<vmem>>, vector<64x128xf32>,
      %broadcast_in_dim3A_62 = arith.constant 0.000000e+00 : f32
      %broadcast_in_dim3A_63 = vector.broadcast %broadcast_in_dim3A_62 : f32 to vector<64x128xf32>
      %swap3A_64 = arith.constant 0 : index
      %swap3A_65 = arith.constant 0 : index
      %swap3A_66 = vector.load %arg10[%swap3A_64, %swap3A_65] : memref<64x128xf32, #tpu.memory_space<vmem>>, vector<64x128xf32>
      tpu.vector_store %arg10[%swap3A_64, %swap3A_65], %broadcast_in_dim3A_63 {strides = array<i32>} : memref<64x128xf32, #tpu.memory_space<vmem>>, vector<64x128xf32>,
    } else {
    }
    %get3A = arith.constant 0 : index
    %get3A_2 = arith.constant 0 : index
    %get3A_3 = vector.load %arg3[%get3A, %get3A_2] : memref<2000x1xf32, #tpu.memory_space<vmem>>, vector<2000x1xf32>
    %get3A_4 = arith.constant 0 : index
    %get3A_5 = arith.constant 0 : index
    %get3A_6 = vector.load %arg4[%get3A_4, %get3A_5] : memref<2000x1xf32, #tpu.memory_space<vmem>>, vector<2000x1xf32>
    %add3A = arith.addf %get3A_3, %get3A_6 : vector<2000x1xf32>
    %max3A = arith.constant 1.000000e+00 : f32
    %max3A_7 = vector.broadcast %max3A : f32 to vector<2000x1xf32>
    %max3A_8 = arith.maximumf %add3A, %max3A_7 : vector<2000x1xf32>
    %get3A_9 = arith.constant 0 : index
    %get3A_10 = arith.constant 0 : index
    %get3A_11 = vector.load %arg1[%get3A_9, %get3A_10] : memref<2000x128xf32, #tpu.memory_space<vmem>>, vector<2000x128xf32>
    %get3A_12 = arith.constant 0 : index
    %get3A_13 = arith.constant 0 : index
    %get3A_14 = vector.load %arg2[%get3A_12, %get3A_13] : memref<2000x128xf32, #tpu.memory_space<vmem>>, vector<2000x128xf32>
    %add3A_15 = arith.addf %get3A_11, %get3A_14 : vector<2000x128xf32>
    %div3A = vector.broadcast %max3A_8 : vector<2000x1xf32> to vector<2000x128xf32>
    %div3A_16 = arith.divf %add3A_15, %div3A : vector<2000x128xf32>
    %get3A_17 = arith.constant 0 : index
    %get3A_18 = arith.constant 0 : index
    %get3A_19 = vector.load %arg6[%get3A_17, %get3A_18] : memref<128x128xf32, #tpu.memory_space<vmem>>, vector<128x128xf32>
    %dot_general3A = arith.constant dense<0.000000e+00> : vector<2000x128xf32>
    %dot_general3A_20 = tpu.matmul %div3A_16, %get3A_19, %dot_general3A {dimension_numbers = #tpu.dot_dimension_numbers<[1], [0], [0], [1], [0, 0, 1, 1], [], []>, precision = #tpu.contract_precision<fp32>, transpose_lhs_hint = false} : vector<2000x128xf32>, vector<128x128xf32>, vector<2000x128xf32> -> vector<2000x128xf32>
    %get3A_21 = arith.constant 0 : index
    %get3A_22 = arith.constant 0 : index
    %get3A_23 = vector.load %arg5[%get3A_21, %get3A_22] : memref<2000x128xf32, #tpu.memory_space<vmem>>, vector<2000x128xf32>
    %add3A_24 = arith.addf %dot_general3A_20, %get3A_23 : vector<2000x128xf32>
    %max3A_25 = arith.constant 0.000000e+00 : f32
    %max3A_26 = vector.broadcast %max3A_25 : f32 to vector<2000x128xf32>
    %max3A_27 = arith.maximumf %add3A_24, %max3A_26 : vector<2000x128xf32>
    %get3A_28 = arith.constant 0 : index
    %get3A_29 = arith.constant 0 : index
    %get3A_30 = vector.load %arg7[%get3A_28, %get3A_29] : memref<2000x1xi32, #tpu.memory_space<vmem>>, vector<2000x1xi32>
    %iota3A = tpu.iota {dimensions = array<i32: 1>} : vector<2000x64xi32>
    %eq3A_31 = vector.broadcast %get3A_30 : vector<2000x1xi32> to vector<2000x64xi32>
    %eq3A_32 = arith.cmpi eq, %eq3A_31, %iota3A : vector<2000x64xi32>
    %convert_element_type3A_33 = arith.extui %eq3A_32 : vector<2000x64xi1> to vector<2000x64xi32>
    %convert_element_type3A_34 = arith.sitofp %convert_element_type3A_33 : vector<2000x64xi32> to vector<2000x64xf32>
    %get3A_35 = arith.constant 0 : index
    %get3A_36 = arith.constant 0 : index
    %get3A_37 = vector.load %arg9[%get3A_35, %get3A_36] : memref<64x128xf32, #tpu.memory_space<vmem>>, vector<64x128xf32>
    %dot_general3A_38 = arith.constant dense<0.000000e+00> : vector<64x128xf32>
    %dot_general3A_39 = tpu.matmul %convert_element_type3A_34, %max3A_27, %dot_general3A_38 {dimension_numbers = #tpu.dot_dimension_numbers<[0], [0], [1], [1], [0, 1, 1, 1], [], []>, precision = #tpu.contract_precision<fp32>, transpose_lhs_hint = false} : vector<2000x64xf32>, vector<2000x128xf32>, vector<64x128xf32> -> vector<64x128xf32>
    %add3A_40 = arith.addf %get3A_37, %dot_general3A_39 : vector<64x128xf32>
    %swap3A = arith.constant 0 : index
    %swap3A_41 = arith.constant 0 : index
    %swap3A_42 = vector.load %arg9[%swap3A, %swap3A_41] : memref<64x128xf32, #tpu.memory_space<vmem>>, vector<64x128xf32>
    tpu.vector_store %arg9[%swap3A, %swap3A_41], %add3A_40 {strides = array<i32>} : memref<64x128xf32, #tpu.memory_space<vmem>>, vector<64x128xf32>,
    %get3A_43 = arith.constant 0 : index
    %get3A_44 = arith.constant 0 : index
    %get3A_45 = vector.load %arg10[%get3A_43, %get3A_44] : memref<64x128xf32, #tpu.memory_space<vmem>>, vector<64x128xf32>
    %reduce_sum3A = arith.constant dense<0.000000e+00> : vector<64xf32>
    %reduce_sum3A_46 = vector.multi_reduction <add>, %convert_element_type3A_34, %reduce_sum3A [0] : vector<2000x64xf32> to vector<64xf32>
    %reshape3A = vector.shape_cast %reduce_sum3A_46 : vector<64xf32> to vector<64x1xf32>
    %broadcast_in_dim3A = vector.shape_cast %reshape3A : vector<64x1xf32> to vector<64x1xf32>
    %broadcast_in_dim3A_47 = vector.broadcast %broadcast_in_dim3A : vector<64x1xf32> to vector<64x128xf32>
    %add3A_48 = arith.addf %get3A_45, %broadcast_in_dim3A_47 : vector<64x128xf32>
    %swap3A_49 = arith.constant 0 : index
    %swap3A_50 = arith.constant 0 : index
    %swap3A_51 = vector.load %arg10[%swap3A_49, %swap3A_50] : memref<64x128xf32, #tpu.memory_space<vmem>>, vector<64x128xf32>
    tpu.vector_store %arg10[%swap3A_49, %swap3A_50], %add3A_48 {strides = array<i32>} : memref<64x128xf32, #tpu.memory_space<vmem>>, vector<64x128xf32>,
    %eq3A_52 = arith.constant 4 : i32
    %eq3A_53 = arith.cmpi eq, %arg0, %eq3A_52 : i32
    %convert_element_type3A_54 = arith.extui %eq3A_53 : i1 to i32
    %cond3A_55 = arith.constant 0 : i32
    %cond3A_56 = arith.cmpi ne, %convert_element_type3A_54, %cond3A_55 : i32
    scf.if %cond3A_56 {
      %get3A_57 = arith.constant 0 : index
      %get3A_58 = arith.constant 0 : index
      %get3A_59 = vector.load %arg9[%get3A_57, %get3A_58] : memref<64x128xf32, #tpu.memory_space<vmem>>, vector<64x128xf32>
      %get3A_60 = arith.constant 0 : index
      %get3A_61 = arith.constant 0 : index
      %get3A_62 = vector.load %arg10[%get3A_60, %get3A_61] : memref<64x128xf32, #tpu.memory_space<vmem>>, vector<64x128xf32>
      %max3A_63 = arith.constant 1.000000e+00 : f32
      %max3A_64 = vector.broadcast %max3A_63 : f32 to vector<64x128xf32>
      %max3A_65 = arith.maximumf %get3A_62, %max3A_64 : vector<64x128xf32>
      %div3A_66 = arith.divf %get3A_59, %max3A_65 : vector<64x128xf32>
      %swap3A_67 = arith.constant 0 : index
      %swap3A_68 = arith.constant 0 : index
      %swap3A_69 = vector.load %arg8[%swap3A_67, %swap3A_68] : memref<64x128xf32, #tpu.memory_space<vmem>>, vector<64x128xf32>
      tpu.vector_store %arg8[%swap3A_67, %swap3A_68], %div3A_66 {strides = array<i32>} : memref<64x128xf32, #tpu.memory_space<vmem>>, vector<64x128xf32>,
    } else {
    }
    return
  }
  func.func @transform_0(%arg0: i32) -> (i32, i32) {
    %c0_i32 = arith.constant 0 : i32
    %c0_i32_0 = arith.constant 0 : i32
    return %arg0, %c0_i32 : i32, i32
  }
  func.func @transform_1(%arg0: i32) -> (i32, i32) {
    %c0_i32 = arith.constant 0 : i32
    %c0_i32_0 = arith.constant 0 : i32
    return %arg0, %c0_i32 : i32, i32
  }
  func.func @transform_2(%arg0: i32) -> (i32, i32) {
    %c0_i32 = arith.constant 0 : i32
    %c0_i32_0 = arith.constant 0 : i32
    return %arg0, %c0_i32 : i32, i32
  }
  func.func @transform_3(%arg0: i32) -> (i32, i32) {
    %c0_i32 = arith.constant 0 : i32
    %c0_i32_0 = arith.constant 0 : i32
    return %arg0, %c0_i32 : i32, i32
  }
  func.func @transform_4(%arg0: i32) -> (i32, i32) {
    %c0_i32 = arith.constant 0 : i32
    %c0_i32_0 = arith.constant 0 : i32
    return %arg0, %c0_i32 : i32, i32
  }
  func.func @transform_5(%arg0: i32) -> (i32, i32) {
    %c0_i32 = arith.constant 0 : i32
    %c0_i32_0 = arith.constant 0 : i32
    %c0_i32_1 = arith.constant 0 : i32
    return %c0_i32, %c0_i32_0 : i32, i32
  }
  func.func @transform_6(%arg0: i32) -> (i32, i32) {
    %c0_i32 = arith.constant 0 : i32
    %c0_i32_0 = arith.constant 0 : i32
    return %arg0, %c0_i32 : i32, i32
  }
  func.func @transform_7(%arg0: i32) -> (i32, i32) {
    %c0_i32 = arith.constant 0 : i32
    %c0_i32_0 = arith.constant 0 : i32
    %c0_i32_1 = arith.constant 0 : i32
    return %c0_i32, %c0_i32_0 : i32, i32
  }
}

</mosaic_0001>

<sc_bundles>
// kernel: kernel.11.cloned.1.call-start
scs
__scs_entry_jumppad:
0x0: {  	(pc) =	sbr.rel $0x88, $3  }
0x1: {  	(tag) =	ssettag $0x0;
	lr =	simm.s32 $0x1  }
0x2: {  	[smem:$0x3F96] =	sst lr;
	_ =	strace $0xD0000000  }
0x3: {  	_ = 	snop  }
0x4: {  	_ = 	snop  }
0x5: {  	_ = 	snop  }
0x6: {  	_ = 	snop  }
0x7: {  	_ = 	snop  }
__scs_overlays_trampoline_lowered:
0x8: {  	[smem:$0x3FA5] =	sst s0  }
0x9: {  	[smem:$0x3FA6] =	sst s1  }
0xa: {  	[smem:$0x3FA7] =	sst s2  }
0xb: {  	[smem:$0x3FA8] =	sst s3  }
0xc: {  	[smem:$0x3FA9] =	sst s4  }
0xd: {  	[smem:$0x3FAA] =	sst s5  }
0xe: {  	[smem:$0x3FAB] =	sst s6  }
0xf: {  	[smem:$0x3FAC] =	sst s7  }
0x10: {  	[smem:$0x3FAD] =	sst s8  }
0x11: {  	[smem:$0x3FAE] =	sst s9;
	s0 =	simm.s32 @!p0 $0x0  }
0x12: {  	s1 =	sld [smem:$0x3F94];
	s0 =	simm.s32 @p0 $0x1  }
0x13: {  	[smem:$0x3FAF] =	sst s0;
	s0 =	simm.s32 @!p1 $0x0  }
0x14: {  	s2 =	sld [smem:$0x3F93];
	s0 =	simm.s32 @p1 $0x1  }
0x15: {  	[smem:$0x3FB0] =	sst s0;
	s0 =	simm.s32 @!p2 $0x0  }
0x16: {  	s3 =	sld [smem:$0x3FDB];
	s0 =	simm.s32 @p2 $0x1  }
0x17: {  	s4 =	simm.s32 $0x1BF5;
	[smem:$0x3FB2] =	sst s0  }
0x18: {  	s0 =	sld [smem:$0x3F95];
	_ =	swait.ge [sflag:s4], $0x0  }
0x19: {  	s7 =	sld [smem:$0x3F96]  }
0x1a: {  	s8 =	sadd.s32 $0xFFFFE003, lr  }
0x1b: {  	s9 =	sadd.s32 $0xFFFFFEF7, lr;
	s5 =	simm.s32 $0xFFFFFFFF;
	p2 =	slt.u32 s8, $0xFFFFF086  }
0x1c: {  	p1 =	slt.u32 s9, $0xF7A;
	s5 =	simm.s32 @!p2 $0x0  }
0x1d: {  	s5 =	simm.s32 @p1 $0x1;
	p0 =	seq.s32 s7, s2  }
0x1e: {  	s7 =	smul.u32 @!p0 $0xF7A, s2;
	p2 =	seq.s32 @!p0 s5, $0x0  }
0x1f: {  	s9 =	smul.u32 $0xF7A, s1;
	s8 =	simm.s32 @!p0 $0x1BF5;
	p2 =	por !p2, p0  }
0x20: {  	[sflag:s8] =	ssyncset.s32 @!p0 $0xFFFFF086;
	s6 =	sadd.s32 @!p0 s3, s7;
	s7 =	simm.s32 @!p0 $0x108  }
0x21: {  	s3 =	sadd.s32 s3, s9;
	s6 =	sadd.s32 @!p0 $0x88, s6;
	s7 =	simm.s32 @p2 $0x1082  }
0x22: {  	[simem:s7], [sflag:s8] =	dma.local @!p0 [hbm:s6], $0xF7A  }
0x23: {  	s9 =	sor.u32 $0xD0000000, s2;
	s6 =	simm.s32 $0x108;
	_ =	swait.ge @!p0 [sflag:s8], $0x0  }
0x24: {  	s3 =	sadd.s32 $0x88, s3;
	s6 =	simm.s32 @!p1 $0x1082;
	[sflag:s4] =	ssyncset.s32 $0xFFFFF086  }
0x25: {  	[simem:s6], [sflag:s4] =	dma.local [hbm:s3], $0xF7A  }
0x26: {  	[smem:$0x3F96] =	sst s1;
	(tag) =	ssettag s2;
	_ =	strace s9  }
0x27: {  	s1 =	sld [smem:$0x3FA6]  }
0x28: {  	s2 =	sld [smem:$0x3FA7]  }
0x29: {  	s4 =	sld [smem:$0x3FA9]  }
0x2a: {  	p0 =	seq.s32 s5, $0x0;
	s5 =	sld [smem:$0x3FAA]  }
0x2b: {  	s6 =	sld [smem:$0x3FAB]  }
0x2c: {  	s7 =	sld [smem:$0x3FAC]  }
0x2d: {  	s3 =	simm.s32 $0x108;
	s8 =	sld [smem:$0x3FAD]  }
0x2e: {  	s3 =	simm.s32 @!p0 $0x1082;
	s9 =	sld [smem:$0x3FAE]  }
0x2f: {  	lr =	sadd.s32 s0, s3;
	s0 =	sld [smem:$0x3FA5]  }
0x30: {  	s3 =	sld [smem:$0x3FA8]  }
0x31: {  	[smem:$0x3FB1] =	sst s10  }
0x32: {  	s10 =	sld [smem:$0x3FAF];
	_ =	sdelay $0x3  }
0x33: {  	p0 =	seq.s32 s10, $0x1;
	s10 =	sld [smem:$0x3FB1];
	_ =	sdelay $0x3  }
0x34: {  	[smem:$0x3FB1] =	sst s10  }
0x35: {  	s10 =	sld [smem:$0x3FB0];
	_ =	sdelay $0x3  }
0x36: {  	p1 =	seq.s32 s10, $0x1;
	s10 =	sld [smem:$0x3FB1];
	_ =	sdelay $0x3  }
0x37: {  	[smem:$0x3FB1] =	sst s10  }
0x38: {  	s10 =	sld [smem:$0x3FB2]  }
0x39: {  	_ = 	snop;
	(pc) =	sbr.ind lr, $3  }
0x3a: {  	_ = 	snop  }
0x3b: {  	_ = 	snop  }
0x3c: {  	p2 =	seq.s32 s10, $0x1;
	s10 =	sld [smem:$0x3FB1]  }
0x3d: {  	_ =	shalt  }
0x3e: {  	_ =	shalt  }
0x3f: {  	_ =	shalt  }
0x40: {  	_ =	shalt  }
0x41: {  	_ =	shalt  }
0x42: {  	_ =	shalt  }
0x43: {  	_ =	shalt  }
0x44: {  	_ =	shalt  }
0x45: {  	_ =	shalt  }
0x46: {  	_ =	shalt  }
0x47: {  	_ =	shalt  }
0x48: {  	_ =	shalt  }
0x49: {  	_ =	shalt  }
0x4a: {  	_ =	shalt  }
0x4b: {  	_ =	shalt  }
0x4c: {  	_ =	shalt  }
0x4d: {  	_ =	shalt  }
0x4e: {  	_ =	shalt  }
0x4f: {  	_ =	shalt  }
0x50: {  	_ =	shalt  }
0x51: {  	_ =	shalt  }
0x52: {  	_ =	shalt  }
0x53: {  	_ =	shalt  }
0x54: {  	_ =	shalt  }
0x55: {  	_ =	shalt  }
0x56: {  	_ =	shalt  }
0x57: {  	_ =	shalt  }
0x58: {  	_ =	shalt  }
0x59: {  	_ =	shalt  }
0x5a: {  	_ =	shalt  }
0x5b: {  	_ =	shalt  }
0x5c: {  	_ =	shalt  }
0x5d: {  	_ =	shalt  }
0x5e: {  	_ =	shalt  }
0x5f: {  	_ =	shalt  }
0x60: {  	_ =	shalt  }
0x61: {  	_ =	shalt  }
0x62: {  	_ =	shalt  }
0x63: {  	_ =	shalt  }
0x64: {  	_ =	shalt  }
0x65: {  	_ =	shalt  }
0x66: {  	_ =	shalt  }
0x67: {  	_ =	shalt  }
0x68: {  	_ =	shalt  }
0x69: {  	_ =	shalt  }
0x6a: {  	_ =	shalt  }
0x6b: {  	_ =	shalt  }
0x6c: {  	_ =	shalt  }
0x6d: {  	_ =	shalt  }
0x6e: {  	_ =	shalt  }
0x6f: {  	_ =	shalt  }
0x70: {  	_ =	shalt  }
0x71: {  	_ =	shalt  }
0x72: {  	_ =	shalt  }
0x73: {  	_ =	shalt  }
0x74: {  	_ =	shalt  }
0x75: {  	_ =	shalt  }
0x76: {  	_ =	shalt  }
0x77: {  	_ =	shalt  }
0x78: {  	_ =	shalt  }
0x79: {  	_ =	shalt  }
0x7a: {  	_ =	shalt  }
0x7b: {  	_ =	shalt  }
0x7c: {  	_ =	shalt  }
0x7d: {  	_ =	shalt  }
0x7e: {  	_ =	shalt  }
0x7f: {  	_ =	shalt  }
0x80: {  	_ =	shalt  }
0x81: {  	_ =	shalt  }
0x82: {  	_ =	shalt  }
0x83: {  	_ =	shalt  }
0x84: {  	_ =	shalt  }
0x85: {  	_ =	shalt  }
0x86: {  	_ =	shalt  }
0x87: {  	_ =	shalt  }
.Lfunc_end0:
.L_simem_size_0:
called_computation.1_lowered:
.L_overlay_start_0:
0x88: {  	s2 =	sld [smem:$0x3FD9]  }
0x89: {  	s3 =	sld [smem:$0x3FFE];
	_ =	sdelay $0x1  }
0x8a: {  	s1 =	srdreg.scid  }
0x8b: {  	s0 =	sand.u32 $0x1, s1  }
0x8c: {  	s16 =	sshll.u32 s0, $0xA;
	s2 =	sadd.s32 s3, s2  }
0x8d: {  	s2 =	sadd.s32 s2, s16  }
0x8e: {  	[smem:$0x3FBD] =	sst s2  }
0x8f: {  	_ = 	snop  }
0x90: {  	(tm) =	ssettm $0x1  }
0x91: {  	s17 =	sld [smem:$0x3FFB];
	_ =	sdelay $0x3  }
0x92: {  	_ =	strace s17  }
0x93: {  	s2 =	sld [smem:$0x3FFC];
	_ =	sdelay $0x3  }
0x94: {  	_ =	strace s2  }
0x95: {  	s2 =	sld [smem:$0x3FFD];
	_ =	sdelay $0x3  }
0x96: {  	_ =	strace s2  }
0x97: {  	_ =	strace $0x8FFFFFFF  }
0x98: {  	s18 =	sld [smem:$0x3FDB];
	_ =	sdelay $0x1  }
0x99: {  	s19 =	simm.s32 $_scs_section_size  }
0x9a: {  	s4 =	simm.s32 $_size__tile_overlayer_lowered;
	s5 =	simm.s32 $_tile_overlayer_lowered  }
0x9b: {  	s22 =	simm.s32 $0x1BFF;
	s21 =	sshll.u32 s5, $0x1;
	s2 =	sadd.s32 s19, s18  }
0x9c: {  	s6 =	simm.s32 $0x0;
	s20 =	sshll.u32 s4, $0x1;
	s4 =	sadd.s32 s21, s2  }
0x9d: {  	[timem:s6], [sflag:s22] =	dma.local [hbm:s4], s20  }
0x9e: {  	_ =	swait.ge [sflag:s22], s20  }
0x9f: {  	s3 =	ssub.s32 $0x0, s20;
	[sflag:s22] =	ssyncset.done $0x0  }
0xa0: {  	[sflag:s22] =	ssyncadd.s32 s3;
	_ =	sdelay $0x1  }
0xa1: {  	s23 =	simm.s32 $0x1B8B  }
0xa2: {  	_ =	swait.ge [sflag:s23], $0x1  }
0xa3: {  	[sflag:s23] =	ssyncset.done $0x0  }
0xa4: {  	s25 =	simm.s32 $0x1B8E;
	s24 =	sld [smem:$0x3FFE];
	[sflag:s23] =	ssyncadd.s32 $0xFFFFFFFF  }
0xa5: {  	s26 =	simm.s32 $execute0_lowered;
	[smem:$0x3FD2] =	sst s25  }
0xa6: {  	s4 =	sshll.u32 s26, $0x1;
	_ =	strace $0x80000049;
	[dreg:$0x1] =	wrdreg $0xFFFFFFFF  }
0xa7: {  	s28 =	simm.s32 $_size_execute0_lowered;
	s2 =	sadd.s32 s2, s4;
	[dreg:$0x0] =	wrdreg $0x0  }
0xa8: {  	s4 =	sshll.u32 s28, $0x1;
	[dreg:$0x2] =	wrdreg s2  }
0xa9: {  	[dreg:$0x3] =	wrdreg s4  }
0xaa: {  	[dreg:$0x4] =	wrdreg $0xC0  }
0xab: {  	_ =	task [dreg:s6], $0x5FFFF  }
0xac: {  	[dreg:$0x1] =	wrdreg $0xFFFFFFFF  }
0xad: {  	[dreg:$0x0] =	wrdreg $0x60  }
0xae: {  	[dreg:$0x2] =	wrdreg s24  }
0xaf: {  	[dreg:$0x3] =	wrdreg $0xA0000  }
0xb0: {  	[dreg:$0x4] =	wrdreg $0x9  }
0xb1: {  	_ =	task.clear_ibuf [dreg:s6], $0x5FFFF;
	_ =	strace $0x90000049  }
0xb2: {  	s29 =	simm.s32 $0x9;
	_ =	strace $0x8000004B  }
0xb3: {  	_ =	swait.ge [sflag:s29], $0x1  }
0xb4: {  	[sflag:s29] =	ssyncadd.s32 $0xFFFFFFFF  }
0xb5: {  	_ =	strace $0x9000004B  }
0xb6: {  	_ =	sfence  }
0xb7: {  	s30 =	sld [smem:$0x0];
	_ =	sdelay $0x2  }
0xb8: {  	s31 =	sshll.u32 s1, $0xD;
	s1 =	sshrl.u32 s1, $0x2  }
0xb9: {  	s3 =	sand.u32 $0x4000, s31;
	s1 =	sadd.s32 s1, s30  }
0xba: {  	s0 =	sor.u32 s3, s0;
	s1 =	sshll.u32 s1, $0x11  }
0xbb: {  	s0 =	sor.u32 s1, s0  }
0xbc: {  	s0 =	sadd.s32 $0x8F2B, s0  }
0xbd: {  	[sflag:s0] =	ssyncadd.remote.s32 $0x1  }
0xbe: {  	_ =	sfence.sel $0xFFFF  }
0xbf: {  	[dreg:$0x0] =	wrdreg $0xFFFFFFFF;
	(pc) =	sbr.abs _section_cstart, $3  }
0xc0: {  	[dreg:$0x1] =	wrdreg $0xFFFFFFFF  }
0xc1: {  	_ =	task.clear_ibuf [dreg:s6], $0x2FFFF;
	_ =	strace $0x9FFFFFFF  }
0xc2: {  	(tm) =	ssettm $0x7FFFFFFF  }
0xc3: {  	_ =	shalt  }
tec
execute0_lowered:
.L_overlay_start_1:
0x0: {  	(tag) =	ssettag $0x1  }
0x1: {  	s7 =	rddreg [dreg:$0x0]  }
0x2: {  	s1 =	rddreg [dreg:$0x1]  }
0x3: {  	s2 =	srdreg.scid;
	s0 =	rddreg [dreg:$0x2];
	s3 =	simm.s32 $0x0  }
0x4: {  	s18 =	simm.s32 $0x1000;
	s19 =	simm.s32 $0x2000;
	s20 =	simm.s32 $0x80  }
0x5: {  	s21 =	simm.s32 $0x6000;
	s22 =	simm.s32 $0x1;
	s11 =	sand.u32 $0x1, s2  }
0x6: {  	s23 =	simm.s32 $0x2;
	s2 =	stileid.u32;
	s6 =	smul.u32 $0x13C000, s11  }
0x7: {  	s24 =	simm.s32 $0x0;
	[smem:$0x7FF] =	sst s3;
	s8 =	smul.u32 $0x13C00, s2  }
0x8: {  	s4 =	sadd.s32 $0x16C00, s7;
	s5 =	sshll.u32 s2, $0x1;
	s12 =	smul.u32 $0x4F000, s2  }
0x9: {  	_ =	strace $0x8000004A;
	s10 =	ssub.s32 $0x2, s11;
	s16 =	smul.u32 $0x5000, s2  }
0xa: {  	s17 =	smul.u32 $0x2800, s11;
	s9 =	sor.u32 s11, s5;
	s5 =	sadd.s32 $0x2C00, s7  }
0xb: {  	s29 =	sshrl.u32 s10, $0x1;
	s6 =	sadd.s32 s8, s6;
	s26 =	smul.u32 $0x2800, s9  }
0xc: {  	s15 =	ssub.s32 s10, s29;
	s31 =	sshrl.u32 s12, $0x2;
	s16 =	sadd.s32 s17, s16  }
0xd: {  	s17 =	simm.s32 $0x5;
	s28 =	sshrl.u32 s6, $0x3;
	s6 =	sadd.s32 $0xCC00, s7  }
0xe: {  	s8 =	sadd.s32 s31, s1;
	s15 =	smax.u32 s15, $0x1;
	s16 =	sadd.s32 $0x800, s16  }
0xf: {  	s14 =	sadd.s32 s28, s7;
	s30 =	sshrl.u32 s26, $0x3;
	s10 =	sadd.s32 $0x4000, s8  }
0x10: {  	s11 =	sadd.s32 $0x8000, s8;
	s12 =	sadd.s32 $0xC000, s8;
	s13 =	sadd.s32 $0x10000, s8  }
0x11: {  	v0 =	vimm.f32 $0.0e+00;
	s7 =	sadd.s32 s5, s30;
	s9 =	sadd.s32 s6, s30;
	s14 =	sadd.s32 $0xBC400, s14  }
.LBB2_1:
0x12: {  	[tilespmem:s3], [sflag:$0x5] =	stream.linear.gather [hbm4b:s7+s3], $0x800, $0x38;
	[tilespmem:$0x1DC00] =	vst v63  }
0x13: {  	_ =	swait.ge [sflag:s17], $0x800  }
0x14: {  	[sflag:s17] =	ssyncset.done $0x0  }
0x15: {  	[sflag:s17] =	ssyncadd.s32 $0xFFFFF800  }
0x16: {  	[tilespmem:s18], [sflag:$0x5] =	stream.linear.gather [hbm4b:s9+s3], $0x800, $0x38;
	[tilespmem:$0x1DC00] =	vst v63  }
0x17: {  	_ =	swait.ge [sflag:s17], $0x800  }
0x18: {  	[sflag:s17] =	ssyncset.done $0x0  }
0x19: {  	s25 =	simm.s32 $0x0;
	s26 =	simm.s32 $0x200;
	[sflag:s17] =	ssyncadd.s32 $0xFFFFF800  }
.LBB2_2:
0x1a: {  	p0 =	sne.s32 s26, $0xFE00;
	[tilespmem:s25+$0x2070] =	vst v0  }
0x1b: {  	[tilespmem:s25+$0x2000] =	vst v0  }
0x1c: {  	[tilespmem:s25+$0x2010] =	vst v0  }
.Ltmp0:
0x1d: {  	[tilespmem:s25+$0x2020] =	vst v0;
	(pc) =	sbr.rel @p0 .LBB2_2-.Ltmp0, $4  }
0x1e: {  	[tilespmem:s25+$0x2030] =	vst v0  }
0x1f: {  	[tilespmem:s25+$0x2040] =	vst v0  }
0x20: {  	[tilespmem:s25+$0x2050] =	vst v0  }
0x21: {  	[tilespmem:s25+$0x2060] =	vst v0;
	s25 =	sshra.s32 s26, $0x2;
	s26 =	sadd.s32 $0x200, s26  }
0x22: {  	[tilespmem:s25+$0x2070] =	vst v0  }
0x23: {  	[tilespmem:s25+$0x2000] =	vst v0  }
0x24: {  	[tilespmem:s25+$0x2010] =	vst v0  }
0x25: {  	[tilespmem:s25+$0x2020] =	vst v0  }
0x26: {  	[tilespmem:s25+$0x2030] =	vst v0  }
0x27: {  	[tilespmem:s25+$0x2040] =	vst v0  }
0x28: {  	[tilespmem:s25+$0x2050] =	vst v0  }
0x29: {  	[tilespmem:s25+$0x2060] =	vst v0  }
0x2a: {  	[spmem:s8] =	stream.linear.scatter [tilespmem:s19], [sflag:$0x5], $0x4000, $0x38;
	[tilespmem:$0x1DC00] =	vst v63  }
0x2b: {  	_ =	swait.ge [sflag:s17], $0x4000  }
0x2c: {  	[sflag:s17] =	ssyncset.done $0x0  }
0x2d: {  	[sflag:s17] =	ssyncadd.s32 $0xFFFFC000  }
0x2e: {  	[spmem:s10] =	stream.linear.scatter [tilespmem:s19], [sflag:$0x5], $0x4000, $0x38;
	[tilespmem:$0x1DC00] =	vst v63  }
0x2f: {  	_ =	swait.ge [sflag:s17], $0x4000  }
0x30: {  	[sflag:s17] =	ssyncset.done $0x0  }
0x31: {  	[sflag:s17] =	ssyncadd.s32 $0xFFFFC000  }
0x32: {  	[spmem:s11] =	stream.linear.scatter [tilespmem:s19], [sflag:$0x5], $0x4000, $0x38;
	[tilespmem:$0x1DC00] =	vst v63  }
0x33: {  	_ =	swait.ge [sflag:s17], $0x4000  }
0x34: {  	[sflag:s17] =	ssyncset.done $0x0  }
0x35: {  	[sflag:s17] =	ssyncadd.s32 $0xFFFFC000  }
0x36: {  	[spmem:s12] =	stream.linear.scatter [tilespmem:s19], [sflag:$0x5], $0x4000, $0x38;
	[tilespmem:$0x1DC00] =	vst v63  }
0x37: {  	_ =	swait.ge [sflag:s17], $0x4000  }
0x38: {  	[sflag:s17] =	ssyncset.done $0x0  }
0x39: {  	[sflag:s17] =	ssyncadd.s32 $0xFFFFC000  }
0x3a: {  	[spmem:s13] =	stream.linear.scatter [tilespmem:s19], [sflag:$0x5], $0x3C00, $0x38;
	[tilespmem:$0x1DC00] =	vst v63  }
0x3b: {  	_ =	swait.ge [sflag:s17], $0x3C00  }
0x3c: {  	[sflag:s17] =	ssyncset.done $0x0  }
0x3d: {  	[sflag:s17] =	ssyncadd.s32 $0xFFFFC400  }
0x3e: {  	s25 =	simm.s32 $0x0;
	[bflag:$0x0] =	sbarrier.arrive $0xFFFF  }
.LBB2_4:
0x3f: {  	p0 =	seq.s32 s25, $0x2000  }
0x40: {  	s28 =	sadd.s32 @!p0 s25, s16  }
0x41: {  	s26 =	sand.u32 @!p0 $0x800, s25;
	s28 =	sshrl.u32 @!p0 s28, $0x3  }
0x42: {  	s31 =	simm.s32 @!p0 $0x0;
	s29 =	sxor.u32 @!p0 $0x800, s26;
	s30 =	sadd.s32 @!p0 s5, s28  }
0x43: {  	[tilespmem:s29], [sflag:$0x3] =	stream.linear.gather @!p0 [hbm4b:s30+s31], $0x800, $0x38;
	[tilespmem:$0x1DC00] =	vst v63  }
0x44: {  	s28 =	sadd.s32 @!p0 s6, s28;
	s29 =	sor.u32 @!p0 $0x1000, s29  }
0x45: {  	[tilespmem:s29], [sflag:$0x4] =	stream.linear.gather @!p0 [hbm4b:s28+s31], $0x800, $0x38;
	[tilespmem:$0x1DC00] =	vst v63  }
0x46: {  	s26 =	simm.s32 @p0 $0x0  }
0x47: {  	[tilespmem:s19], [sflag:$0x1] =	stream.indirect.gather [hbm4b:s4+s20], $0x80, s26, s20, $0xb8;
	[tilespmem:$0x1DC00] =	vst v63  }
0x48: {  	s29 =	sor.u32 $0x80, s26  }
0x49: {  	[tilespmem:s21], [sflag:$0x2] =	stream.indirect.gather [hbm4b:s4+s20], $0x80, s29, s20, $0xb8;
	[tilespmem:$0x1DC00] =	vst v63  }
0x4a: {  	_ =	swait.ge [sflag:s22], $0x4000  }
0x4b: {  	[sflag:s22] =	ssyncset.done $0x0  }
0x4c: {  	s30 =	sor.u32 $0x1000, s26;
	[sflag:s22] =	ssyncadd.s32 $0xFFFFC000  }
0x4d: {  	[spmem:s1] =	stream.indirect.scatter.add.f32 [tilespmem:s19], [sflag:$0x5], $0x80, s30, s20, $0xb8;
	[tilespmem:$0x1DC00] =	vst v63  }
0x4e: {  	_ =	swait.ge [sflag:s17], $0x4000  }
0x4f: {  	[sflag:s17] =	ssyncset.done $0x0  }
0x50: {  	s31 =	sadd.s32 $0x100, s26;
	[sflag:s17] =	ssyncadd.s32 $0xFFFFC000  }
0x51: {  	[tilespmem:s19], [sflag:$0x1] =	stream.indirect.gather [hbm4b:s4+s20], $0x80, s31, s20, $0xb8;
	[tilespmem:$0x1DC00] =	vst v63  }
0x52: {  	_ =	swait.ge [sflag:s23], $0x4000  }
0x53: {  	[sflag:s23] =	ssyncset.done $0x0  }
0x54: {  	s29 =	sor.u32 $0x1080, s26;
	[sflag:s23] =	ssyncadd.s32 $0xFFFFC000  }
0x55: {  	[spmem:s1] =	stream.indirect.scatter.add.f32 [tilespmem:s21], [sflag:$0x5], $0x80, s29, s20, $0xb8;
	[tilespmem:$0x1DC00] =	vst v63  }
0x56: {  	_ =	swait.ge [sflag:s17], $0x4000  }
0x57: {  	[sflag:s17] =	ssyncset.done $0x0  }
0x58: {  	s30 =	sor.u32 $0x180, s26;
	[sflag:s17] =	ssyncadd.s32 $0xFFFFC000  }
0x59: {  	[tilespmem:s21], [sflag:$0x2] =	stream.indirect.gather [hbm4b:s4+s20], $0x80, s30, s20, $0xb8;
	[tilespmem:$0x1DC00] =	vst v63  }
0x5a: {  	_ =	swait.ge [sflag:s22], $0x4000  }
0x5b: {  	[sflag:s22] =	ssyncset.done $0x0  }
0x5c: {  	s31 =	sadd.s32 $0x1100, s26;
	[sflag:s22] =	ssyncadd.s32 $0xFFFFC000  }
0x5d: {  	[spmem:s1] =	stream.indirect.scatter.add.f32 [tilespmem:s19], [sflag:$0x5], $0x80, s31, s20, $0xb8;
	[tilespmem:$0x1DC00] =	vst v63  }
0x5e: {  	_ =	swait.ge [sflag:s17], $0x4000  }
0x5f: {  	[sflag:s17] =	ssyncset.done $0x0  }
0x60: {  	s29 =	sadd.s32 $0x200, s26;
	[sflag:s17] =	ssyncadd.s32 $0xFFFFC000  }
0x61: {  	[tilespmem:s19], [sflag:$0x1] =	stream.indirect.gather [hbm4b:s4+s20], $0x80, s29, s20, $0xb8;
	[tilespmem:$0x1DC00] =	vst v63  }
0x62: {  	_ =	swait.ge [sflag:s23], $0x4000  }
0x63: {  	[sflag:s23] =	ssyncset.done $0x0  }
0x64: {  	s30 =	sor.u32 $0x1180, s26;
	[sflag:s23] =	ssyncadd.s32 $0xFFFFC000  }
0x65: {  	[spmem:s1] =	stream.indirect.scatter.add.f32 [tilespmem:s21], [sflag:$0x5], $0x80, s30, s20, $0xb8;
	[tilespmem:$0x1DC00] =	vst v63  }
0x66: {  	_ =	swait.ge [sflag:s17], $0x4000  }
0x67: {  	[sflag:s17] =	ssyncset.done $0x0  }
0x68: {  	s31 =	sor.u32 $0x280, s26;
	[sflag:s17] =	ssyncadd.s32 $0xFFFFC000  }
0x69: {  	[tilespmem:s21], [sflag:$0x2] =	stream.indirect.gather [hbm4b:s4+s20], $0x80, s31, s20, $0xb8;
	[tilespmem:$0x1DC00] =	vst v63  }
0x6a: {  	_ =	swait.ge [sflag:s22], $0x4000  }
0x6b: {  	[sflag:s22] =	ssyncset.done $0x0  }
0x6c: {  	s29 =	sadd.s32 $0x1200, s26;
	[sflag:s22] =	ssyncadd.s32 $0xFFFFC000  }
0x6d: {  	[spmem:s1] =	stream.indirect.scatter.add.f32 [tilespmem:s19], [sflag:$0x5], $0x80, s29, s20, $0xb8;
	[tilespmem:$0x1DC00] =	vst v63  }
0x6e: {  	_ =	swait.ge [sflag:s17], $0x4000  }
0x6f: {  	[sflag:s17] =	ssyncset.done $0x0  }
0x70: {  	s30 =	sadd.s32 $0x300, s26;
	[sflag:s17] =	ssyncadd.s32 $0xFFFFC000  }
0x71: {  	[tilespmem:s19], [sflag:$0x1] =	stream.indirect.gather [hbm4b:s4+s20], $0x80, s30, s20, $0xb8;
	[tilespmem:$0x1DC00] =	vst v63  }
0x72: {  	_ =	swait.ge [sflag:s23], $0x4000  }
0x73: {  	[sflag:s23] =	ssyncset.done $0x0  }
0x74: {  	s31 =	sor.u32 $0x1280, s26;
	[sflag:s23] =	ssyncadd.s32 $0xFFFFC000  }
0x75: {  	[spmem:s1] =	stream.indirect.scatter.add.f32 [tilespmem:s21], [sflag:$0x5], $0x80, s31, s20, $0xb8;
	[tilespmem:$0x1DC00] =	vst v63  }
0x76: {  	_ =	swait.ge [sflag:s17], $0x4000  }
0x77: {  	[sflag:s17] =	ssyncset.done $0x0  }
0x78: {  	s29 =	sor.u32 $0x380, s26;
	[sflag:s17] =	ssyncadd.s32 $0xFFFFC000  }
0x79: {  	[tilespmem:s21], [sflag:$0x2] =	stream.indirect.gather [hbm4b:s4+s20], $0x80, s29, s20, $0xb8;
	[tilespmem:$0x1DC00] =	vst v63  }
0x7a: {  	_ =	swait.ge [sflag:s22], $0x4000  }
0x7b: {  	[sflag:s22] =	ssyncset.done $0x0  }
0x7c: {  	s30 =	sadd.s32 $0x1300, s26;
	[sflag:s22] =	ssyncadd.s32 $0xFFFFC000  }
0x7d: {  	[spmem:s1] =	stream.indirect.scatter.add.f32 [tilespmem:s19], [sflag:$0x5], $0x80, s30, s20, $0xb8;
	[tilespmem:$0x1DC00] =	vst v63  }
0x7e: {  	_ =	swait.ge [sflag:s17], $0x4000  }
0x7f: {  	[sflag:s17] =	ssyncset.done $0x0  }
0x80: {  	s31 =	sadd.s32 $0x400, s26;
	[sflag:s17] =	ssyncadd.s32 $0xFFFFC000  }
0x81: {  	[tilespmem:s19], [sflag:$0x1] =	stream.indirect.gather [hbm4b:s4+s20], $0x80, s31, s20, $0xb8;
	[tilespmem:$0x1DC00] =	vst v63  }
0x82: {  	_ =	swait.ge [sflag:s23], $0x4000  }
0x83: {  	[sflag:s23] =	ssyncset.done $0x0  }
0x84: {  	s29 =	sor.u32 $0x1380, s26;
	[sflag:s23] =	ssyncadd.s32 $0xFFFFC000  }
0x85: {  	[spmem:s1] =	stream.indirect.scatter.add.f32 [tilespmem:s21], [sflag:$0x5], $0x80, s29, s20, $0xb8;
	[tilespmem:$0x1DC00] =	vst v63  }
0x86: {  	_ =	swait.ge [sflag:s17], $0x4000  }
0x87: {  	[sflag:s17] =	ssyncset.done $0x0  }
0x88: {  	s30 =	sor.u32 $0x480, s26;
	[sflag:s17] =	ssyncadd.s32 $0xFFFFC000  }
0x89: {  	[tilespmem:s21], [sflag:$0x2] =	stream.indirect.gather [hbm4b:s4+s20], $0x80, s30, s20, $0xb8;
	[tilespmem:$0x1DC00] =	vst v63  }
0x8a: {  	_ =	swait.ge [sflag:s22], $0x4000  }
0x8b: {  	[sflag:s22] =	ssyncset.done $0x0  }
0x8c: {  	s31 =	sadd.s32 $0x1400, s26;
	[sflag:s22] =	ssyncadd.s32 $0xFFFFC000  }
0x8d: {  	[spmem:s1] =	stream.indirect.scatter.add.f32 [tilespmem:s19], [sflag:$0x5], $0x80, s31, s20, $0xb8;
	[tilespmem:$0x1DC00] =	vst v63  }
0x8e: {  	_ =	swait.ge [sflag:s17], $0x4000  }
0x8f: {  	[sflag:s17] =	ssyncset.done $0x0  }
0x90: {  	s29 =	sadd.s32 $0x500, s26;
	[sflag:s17] =	ssyncadd.s32 $0xFFFFC000  }
0x91: {  	[tilespmem:s19], [sflag:$0x1] =	stream.indirect.gather [hbm4b:s4+s20], $0x80, s29, s20, $0xb8;
	[tilespmem:$0x1DC00] =	vst v63  }
0x92: {  	_ =	swait.ge [sflag:s23], $0x4000  }
0x93: {  	[sflag:s23] =	ssyncset.done $0x0  }
0x94: {  	s30 =	sor.u32 $0x1480, s26;
	[sflag:s23] =	ssyncadd.s32 $0xFFFFC000  }
0x95: {  	[spmem:s1] =	stream.indirect.scatter.add.f32 [tilespmem:s21], [sflag:$0x5], $0x80, s30, s20, $0xb8;
	[tilespmem:$0x1DC00] =	vst v63  }
0x96: {  	_ =	swait.ge [sflag:s17], $0x4000  }
0x97: {  	[sflag:s17] =	ssyncset.done $0x0  }
0x98: {  	s31 =	sor.u32 $0x580, s26;
	[sflag:s17] =	ssyncadd.s32 $0xFFFFC000  }
0x99: {  	[tilespmem:s21], [sflag:$0x2] =	stream.indirect.gather [hbm4b:s4+s20], $0x80, s31, s20, $0xb8;
	[tilespmem:$0x1DC00] =	vst v63  }
0x9a: {  	_ =	swait.ge [sflag:s22], $0x4000  }
0x9b: {  	[sflag:s22] =	ssyncset.done $0x0  }
0x9c: {  	s29 =	sadd.s32 $0x1500, s26;
	[sflag:s22] =	ssyncadd.s32 $0xFFFFC000  }
0x9d: {  	[spmem:s1] =	stream.indirect.scatter.add.f32 [tilespmem:s19], [sflag:$0x5], $0x80, s29, s20, $0xb8;
	[tilespmem:$0x1DC00] =	vst v63  }
0x9e: {  	_ =	swait.ge [sflag:s17], $0x4000  }
0x9f: {  	[sflag:s17] =	ssyncset.done $0x0  }
0xa0: {  	s30 =	sadd.s32 $0x600, s26;
	[sflag:s17] =	ssyncadd.s32 $0xFFFFC000  }
0xa1: {  	[tilespmem:s19], [sflag:$0x1] =	stream.indirect.gather [hbm4b:s4+s20], $0x80, s30, s20, $0xb8;
	[tilespmem:$0x1DC00] =	vst v63  }
0xa2: {  	_ =	swait.ge [sflag:s23], $0x4000  }
0xa3: {  	[sflag:s23] =	ssyncset.done $0x0  }
0xa4: {  	s31 =	sor.u32 $0x1580, s26;
	[sflag:s23] =	ssyncadd.s32 $0xFFFFC000  }
0xa5: {  	[spmem:s1] =	stream.indirect.scatter.add.f32 [tilespmem:s21], [sflag:$0x5], $0x80, s31, s20, $0xb8;
	[tilespmem:$0x1DC00] =	vst v63  }
0xa6: {  	_ =	swait.ge [sflag:s17], $0x4000  }
0xa7: {  	[sflag:s17] =	ssyncset.done $0x0  }
0xa8: {  	s29 =	sor.u32 $0x680, s26;
	[sflag:s17] =	ssyncadd.s32 $0xFFFFC000  }
0xa9: {  	[tilespmem:s21], [sflag:$0x2] =	stream.indirect.gather [hbm4b:s4+s20], $0x80, s29, s20, $0xb8;
	[tilespmem:$0x1DC00] =	vst v63  }
0xaa: {  	_ =	swait.ge [sflag:s22], $0x4000  }
0xab: {  	[sflag:s22] =	ssyncset.done $0x0  }
0xac: {  	s30 =	sadd.s32 $0x1600, s26;
	[sflag:s22] =	ssyncadd.s32 $0xFFFFC000  }
0xad: {  	[spmem:s1] =	stream.indirect.scatter.add.f32 [tilespmem:s19], [sflag:$0x5], $0x80, s30, s20, $0xb8;
	[tilespmem:$0x1DC00] =	vst v63  }
0xae: {  	_ =	swait.ge [sflag:s17], $0x4000  }
0xaf: {  	[sflag:s17] =	ssyncset.done $0x0  }
0xb0: {  	s31 =	sadd.s32 $0x700, s26;
	[sflag:s17] =	ssyncadd.s32 $0xFFFFC000  }
0xb1: {  	[tilespmem:s19], [sflag:$0x1] =	stream.indirect.gather [hbm4b:s4+s20], $0x80, s31, s20, $0xb8;
	[tilespmem:$0x1DC00] =	vst v63  }
0xb2: {  	_ =	swait.ge [sflag:s23], $0x4000  }
0xb3: {  	[sflag:s23] =	ssyncset.done $0x0  }
0xb4: {  	s29 =	sor.u32 $0x1680, s26;
	[sflag:s23] =	ssyncadd.s32 $0xFFFFC000  }
0xb5: {  	[spmem:s1] =	stream.indirect.scatter.add.f32 [tilespmem:s21], [sflag:$0x5], $0x80, s29, s20, $0xb8;
	[tilespmem:$0x1DC00] =	vst v63  }
0xb6: {  	_ =	swait.ge [sflag:s17], $0x4000  }
0xb7: {  	[sflag:s17] =	ssyncset.done $0x0  }
0xb8: {  	s30 =	sor.u32 $0x780, s26;
	[sflag:s17] =	ssyncadd.s32 $0xFFFFC000  }
0xb9: {  	[tilespmem:s21], [sflag:$0x2] =	stream.indirect.gather [hbm4b:s4+s20], $0x80, s30, s20, $0xb8;
	[tilespmem:$0x1DC00] =	vst v63  }
0xba: {  	_ =	swait.ge [sflag:s22], $0x4000  }
0xbb: {  	[sflag:s22] =	ssyncset.done $0x0  }
0xbc: {  	s31 =	sadd.s32 $0x1700, s26;
	[sflag:s22] =	ssyncadd.s32 $0xFFFFC000  }
0xbd: {  	[spmem:s1] =	stream.indirect.scatter.add.f32 [tilespmem:s19], [sflag:$0x5], $0x80, s31, s20, $0xb8;
	[tilespmem:$0x1DC00] =	vst v63  }
0xbe: {  	_ =	swait.ge [sflag:s17], $0x4000  }
0xbf: {  	[sflag:s17] =	ssyncset.done $0x0  }
0xc0: {  	[sflag:s17] =	ssyncadd.s32 $0xFFFFC000  }
0xc1: {  	_ =	swait.ge [sflag:s23], $0x4000  }
0xc2: {  	[sflag:s23] =	ssyncset.done $0x0  }
0xc3: {  	s26 =	sor.u32 $0x1780, s26;
	[sflag:s23] =	ssyncadd.s32 $0xFFFFC000  }
0xc4: {  	[spmem:s1] =	stream.indirect.scatter.add.f32 [tilespmem:s21], [sflag:$0x5], $0x80, s26, s20, $0xb8;
	[tilespmem:$0x1DC00] =	vst v63  }
0xc5: {  	_ =	swait.ge [sflag:s17], $0x4000  }
0xc6: {  	s25 =	sadd.s32 @!p0 $0x800, s25;
	[sflag:s17] =	ssyncset.done $0x0  }
0xc7: {  	p1 =	sne.s32 @!p0 s25, $0x2800;
	s26 =	simm.s32 @!p0 $0x3;
	[sflag:s17] =	ssyncadd.s32 $0xFFFFC000  }
0xc8: {  	p1 =	por p0, !p1;
	_ =	swait.ge @!p0 [sflag:s26], $0x800  }
.Ltmp1:
0xc9: {  	[sflag:s26] =	ssyncset.done @!p0 $0x0;
	(pc) =	sbr.rel @!p1 .LBB2_4-.Ltmp1, $4  }
0xca: {  	[sflag:s26] =	ssyncadd.s32 @!p0 $0xFFFFF800;
	s26 =	simm.s32 @!p0 $0x4  }
0xcb: {  	_ =	swait.ge @!p0 [sflag:s26], $0x800  }
0xcc: {  	[sflag:s26] =	ssyncset.done @!p0 $0x0  }
0xcd: {  	[sflag:s26] =	ssyncadd.s32 @!p0 $0xFFFFF800  }
0xce: {  	s24 =	sadd.s32 $0x1, s24  }
0xcf: {  	s25 =	sshll.u32 s2, $0x6;
	[bflag:$0x0] =	sbarrier.arrive $0xFFFF;
	p0 =	sne.s32 s24, s15  }
.Ltmp2:
0xd0: {  	s26 =	sshrl.u32 s8, $0x3;
	s25 =	sor.u32 $0x1C05, s25;
	(pc) =	sbr.rel @p0 .LBB2_1-.Ltmp2, $4  }
0xd1: {  	[hbm:s14], [sflag:s25] =	dma.local [spmem:s26], $0x2780  }
0xd2: {  	_ =	swait.ge [sflag:s17], $0x2780  }
0xd3: {  	[sflag:s17] =	ssyncset.done $0x0  }
0xd4: {  	[sflag:s17] =	ssyncadd.s32 $0xFFFFD880  }
0xd5: {  	_ =	sfence.sel $0x180000  }
0xd6: {  	[bflag:$0x0] =	sbarrier.arrive $0xFFFF  }
0xd7: {  	p0 =	sne.s32 s2, $0x0;
	_ =	strace $0x9000004A  }
0xd8: {  	s0 =	sadd.s32 @!p0 $0x100000, s0;
	[bflag:$0x2] =	sbarrier.arrive $0xFFFF  }
0xd9: {  	[sflag:s0] =	ssyncadd.tile.s32 @!p0 $0x1;
	_ =	shalt  }
.Lfunc_end2:
_tile_overlayer_lowered:
.L_overlay_start_2:
0xda: {  	(tag) =	ssettag $0x2  }
0xdb: {  	s0 =	rddreg [dreg:$0x0];
	s2 =	stileid.u32  }
0xdc: {  	s1 =	rddreg [dreg:$0x1];
	p0 =	sne.s32 s2, $0x0  }
0xdd: {  	s3 =	rddreg [dreg:$0x2];
	[bflag:$0x3] =	sbarrier.arrive $0xFFFF;
	s2 =	simm.s32 @!p0 $0x1C05  }
0xde: {  	[timem:s3], [sflag:s2] =	dma.local @!p0 [hbm:s0], s1  }
0xdf: {  	s0 =	simm.s32 @!p0 $0x5  }
0xe0: {  	_ =	swait.ge @!p0 [sflag:s0], s1  }
0xe1: {  	s1 =	ssub.s32 @!p0 $0x0, s1;
	[sflag:s0] =	ssyncset.done @!p0 $0x0  }
0xe2: {  	[sflag:s0] =	ssyncadd.s32 @!p0 s1  }
0xe3: {  	[bflag:$0x3] =	sbarrier.arrive $0xFFFF  }
0xe4: {  	_ =	shalt  }

// kernel: kernel.8.cloned.1.call-start
scs
__scs_entry_jumppad:
0x0: {  	(pc) =	sbr.rel $0x88, $3  }
0x1: {  	(tag) =	ssettag $0x0;
	lr =	simm.s32 $0x1  }
0x2: {  	[smem:$0x3F96] =	sst lr;
	_ =	strace $0xD0000000  }
0x3: {  	_ = 	snop  }
0x4: {  	_ = 	snop  }
0x5: {  	_ = 	snop  }
0x6: {  	_ = 	snop  }
0x7: {  	_ = 	snop  }
__scs_overlays_trampoline_lowered:
0x8: {  	[smem:$0x3FA5] =	sst s0  }
0x9: {  	[smem:$0x3FA6] =	sst s1  }
0xa: {  	[smem:$0x3FA7] =	sst s2  }
0xb: {  	[smem:$0x3FA8] =	sst s3  }
0xc: {  	[smem:$0x3FA9] =	sst s4  }
0xd: {  	[smem:$0x3FAA] =	sst s5  }
0xe: {  	[smem:$0x3FAB] =	sst s6  }
0xf: {  	[smem:$0x3FAC] =	sst s7  }
0x10: {  	[smem:$0x3FAD] =	sst s8  }
0x11: {  	[smem:$0x3FAE] =	sst s9;
	s0 =	simm.s32 @!p0 $0x0  }
0x12: {  	s1 =	sld [smem:$0x3F94];
	s0 =	simm.s32 @p0 $0x1  }
0x13: {  	[smem:$0x3FAF] =	sst s0;
	s0 =	simm.s32 @!p1 $0x0  }
0x14: {  	s2 =	sld [smem:$0x3F93];
	s0 =	simm.s32 @p1 $0x1  }
0x15: {  	[smem:$0x3FB0] =	sst s0;
	s0 =	simm.s32 @!p2 $0x0  }
0x16: {  	s3 =	sld [smem:$0x3FDB];
	s0 =	simm.s32 @p2 $0x1  }
0x17: {  	s4 =	simm.s32 $0x1BF5;
	[smem:$0x3FB2] =	sst s0  }
0x18: {  	s0 =	sld [smem:$0x3F95];
	_ =	swait.ge [sflag:s4], $0x0  }
0x19: {  	s7 =	sld [smem:$0x3F96]  }
0x1a: {  	s8 =	sadd.s32 $0xFFFFE003, lr  }
0x1b: {  	s9 =	sadd.s32 $0xFFFFFEF7, lr;
	s5 =	simm.s32 $0xFFFFFFFF;
	p2 =	slt.u32 s8, $0xFFFFF086  }
0x1c: {  	p1 =	slt.u32 s9, $0xF7A;
	s5 =	simm.s32 @!p2 $0x0  }
0x1d: {  	s5 =	simm.s32 @p1 $0x1;
	p0 =	seq.s32 s7, s2  }
0x1e: {  	s7 =	smul.u32 @!p0 $0xF7A, s2;
	p2 =	seq.s32 @!p0 s5, $0x0  }
0x1f: {  	s9 =	smul.u32 $0xF7A, s1;
	s8 =	simm.s32 @!p0 $0x1BF5;
	p2 =	por !p2, p0  }
0x20: {  	[sflag:s8] =	ssyncset.s32 @!p0 $0xFFFFF086;
	s6 =	sadd.s32 @!p0 s3, s7;
	s7 =	simm.s32 @!p0 $0x108  }
0x21: {  	s3 =	sadd.s32 s3, s9;
	s6 =	sadd.s32 @!p0 $0x88, s6;
	s7 =	simm.s32 @p2 $0x1082  }
0x22: {  	[simem:s7], [sflag:s8] =	dma.local @!p0 [hbm:s6], $0xF7A  }
0x23: {  	s9 =	sor.u32 $0xD0000000, s2;
	s6 =	simm.s32 $0x108;
	_ =	swait.ge @!p0 [sflag:s8], $0x0  }
0x24: {  	s3 =	sadd.s32 $0x88, s3;
	s6 =	simm.s32 @!p1 $0x1082;
	[sflag:s4] =	ssyncset.s32 $0xFFFFF086  }
0x25: {  	[simem:s6], [sflag:s4] =	dma.local [hbm:s3], $0xF7A  }
0x26: {  	[smem:$0x3F96] =	sst s1;
	(tag) =	ssettag s2;
	_ =	strace s9  }
0x27: {  	s1 =	sld [smem:$0x3FA6]  }
0x28: {  	s2 =	sld [smem:$0x3FA7]  }
0x29: {  	s4 =	sld [smem:$0x3FA9]  }
0x2a: {  	p0 =	seq.s32 s5, $0x0;
	s5 =	sld [smem:$0x3FAA]  }
0x2b: {  	s6 =	sld [smem:$0x3FAB]  }
0x2c: {  	s7 =	sld [smem:$0x3FAC]  }
0x2d: {  	s3 =	simm.s32 $0x108;
	s8 =	sld [smem:$0x3FAD]  }
0x2e: {  	s3 =	simm.s32 @!p0 $0x1082;
	s9 =	sld [smem:$0x3FAE]  }
0x2f: {  	lr =	sadd.s32 s0, s3;
	s0 =	sld [smem:$0x3FA5]  }
0x30: {  	s3 =	sld [smem:$0x3FA8]  }
0x31: {  	[smem:$0x3FB1] =	sst s10  }
0x32: {  	s10 =	sld [smem:$0x3FAF];
	_ =	sdelay $0x3  }
0x33: {  	p0 =	seq.s32 s10, $0x1;
	s10 =	sld [smem:$0x3FB1];
	_ =	sdelay $0x3  }
0x34: {  	[smem:$0x3FB1] =	sst s10  }
0x35: {  	s10 =	sld [smem:$0x3FB0];
	_ =	sdelay $0x3  }
0x36: {  	p1 =	seq.s32 s10, $0x1;
	s10 =	sld [smem:$0x3FB1];
	_ =	sdelay $0x3  }
0x37: {  	[smem:$0x3FB1] =	sst s10  }
0x38: {  	s10 =	sld [smem:$0x3FB2]  }
0x39: {  	_ = 	snop;
	(pc) =	sbr.ind lr, $3  }
0x3a: {  	_ = 	snop  }
0x3b: {  	_ = 	snop  }
0x3c: {  	p2 =	seq.s32 s10, $0x1;
	s10 =	sld [smem:$0x3FB1]  }
0x3d: {  	_ =	shalt  }
0x3e: {  	_ =	shalt  }
0x3f: {  	_ =	shalt  }
0x40: {  	_ =	shalt  }
0x41: {  	_ =	shalt  }
0x42: {  	_ =	shalt  }
0x43: {  	_ =	shalt  }
0x44: {  	_ =	shalt  }
0x45: {  	_ =	shalt  }
0x46: {  	_ =	shalt  }
0x47: {  	_ =	shalt  }
0x48: {  	_ =	shalt  }
0x49: {  	_ =	shalt  }
0x4a: {  	_ =	shalt  }
0x4b: {  	_ =	shalt  }
0x4c: {  	_ =	shalt  }
0x4d: {  	_ =	shalt  }
0x4e: {  	_ =	shalt  }
0x4f: {  	_ =	shalt  }
0x50: {  	_ =	shalt  }
0x51: {  	_ =	shalt  }
0x52: {  	_ =	shalt  }
0x53: {  	_ =	shalt  }
0x54: {  	_ =	shalt  }
0x55: {  	_ =	shalt  }
0x56: {  	_ =	shalt  }
0x57: {  	_ =	shalt  }
0x58: {  	_ =	shalt  }
0x59: {  	_ =	shalt  }
0x5a: {  	_ =	shalt  }
0x5b: {  	_ =	shalt  }
0x5c: {  	_ =	shalt  }
0x5d: {  	_ =	shalt  }
0x5e: {  	_ =	shalt  }
0x5f: {  	_ =	shalt  }
0x60: {  	_ =	shalt  }
0x61: {  	_ =	shalt  }
0x62: {  	_ =	shalt  }
0x63: {  	_ =	shalt  }
0x64: {  	_ =	shalt  }
0x65: {  	_ =	shalt  }
0x66: {  	_ =	shalt  }
0x67: {  	_ =	shalt  }
0x68: {  	_ =	shalt  }
0x69: {  	_ =	shalt  }
0x6a: {  	_ =	shalt  }
0x6b: {  	_ =	shalt  }
0x6c: {  	_ =	shalt  }
0x6d: {  	_ =	shalt  }
0x6e: {  	_ =	shalt  }
0x6f: {  	_ =	shalt  }
0x70: {  	_ =	shalt  }
0x71: {  	_ =	shalt  }
0x72: {  	_ =	shalt  }
0x73: {  	_ =	shalt  }
0x74: {  	_ =	shalt  }
0x75: {  	_ =	shalt  }
0x76: {  	_ =	shalt  }
0x77: {  	_ =	shalt  }
0x78: {  	_ =	shalt  }
0x79: {  	_ =	shalt  }
0x7a: {  	_ =	shalt  }
0x7b: {  	_ =	shalt  }
0x7c: {  	_ =	shalt  }
0x7d: {  	_ =	shalt  }
0x7e: {  	_ =	shalt  }
0x7f: {  	_ =	shalt  }
0x80: {  	_ =	shalt  }
0x81: {  	_ =	shalt  }
0x82: {  	_ =	shalt  }
0x83: {  	_ =	shalt  }
0x84: {  	_ =	shalt  }
0x85: {  	_ =	shalt  }
0x86: {  	_ =	shalt  }
0x87: {  	_ =	shalt  }
.Lfunc_end0:
.L_simem_size_0:
called_computation_lowered:
.L_overlay_start_0:
0x88: {  	s2 =	sld [smem:$0x3FD9]  }
0x89: {  	s3 =	sld [smem:$0x3FFE];
	_ =	sdelay $0x1  }
0x8a: {  	s1 =	srdreg.scid  }
0x8b: {  	s0 =	sand.u32 $0x1, s1  }
0x8c: {  	s17 =	sshll.u32 s0, $0xA;
	s2 =	sadd.s32 s3, s2  }
0x8d: {  	s2 =	sadd.s32 s2, s17  }
0x8e: {  	[smem:$0x3FBD] =	sst s2  }
0x8f: {  	_ = 	snop  }
0x90: {  	s2 =	sld [smem:$0x3FC9]  }
0x91: {  	s18 =	sld [smem:$0x3FD0];
	(tm) =	ssettm $0x1  }
0x92: {  	s4 =	sld [smem:$0x3FFB];
	_ =	sdelay $0x3  }
0x93: {  	_ =	strace s4  }
0x94: {  	s4 =	sld [smem:$0x3FFC];
	_ =	sdelay $0x3  }
0x95: {  	_ =	strace s4  }
0x96: {  	s4 =	sld [smem:$0x3FFD];
	_ =	sdelay $0x3  }
0x97: {  	_ =	strace s4  }
0x98: {  	_ =	strace $0x8FFFFFFF  }
0x99: {  	s19 =	sld [smem:$0x3FDB];
	_ =	sdelay $0x1  }
0x9a: {  	s5 =	simm.s32 $_scs_section_size  }
0x9b: {  	s6 =	simm.s32 $_size__tile_overlayer_lowered;
	s7 =	simm.s32 $_tile_overlayer_lowered  }
0x9c: {  	s22 =	simm.s32 $0x1BFF;
	s21 =	sshll.u32 s7, $0x1;
	s4 =	sadd.s32 s5, s19  }
0x9d: {  	s8 =	simm.s32 $0x0;
	s20 =	sshll.u32 s6, $0x1;
	s6 =	sadd.s32 s21, s4  }
0x9e: {  	[timem:s8], [sflag:s22] =	dma.local [hbm:s6], s20  }
0x9f: {  	_ =	swait.ge [sflag:s22], s20  }
0xa0: {  	s5 =	ssub.s32 $0x0, s20;
	[sflag:s22] =	ssyncset.done $0x0  }
0xa1: {  	[sflag:s22] =	ssyncadd.s32 s5;
	_ =	sdelay $0x1  }
0xa2: {  	s23 =	simm.s32 $0x1B8B  }
0xa3: {  	_ =	swait.ge [sflag:s23], $0x1  }
0xa4: {  	[sflag:s23] =	ssyncset.done $0x0  }
0xa5: {  	s25 =	simm.s32 $0x1B8E;
	s24 =	sld [smem:$0x3FFE];
	[sflag:s23] =	ssyncadd.s32 $0xFFFFFFFF  }
0xa6: {  	s26 =	simm.s32 $execute0_lowered;
	[smem:$0x3FD2] =	sst s25  }
0xa7: {  	s6 =	sshll.u32 s26, $0x1;
	_ =	strace $0x80000046;
	[dreg:$0x1] =	wrdreg $0xFFFFFFFF  }
0xa8: {  	s28 =	simm.s32 $_size_execute0_lowered;
	s4 =	sadd.s32 s4, s6;
	[dreg:$0x0] =	wrdreg $0x0  }
0xa9: {  	s6 =	sshll.u32 s28, $0x1;
	[dreg:$0x2] =	wrdreg s4  }
0xaa: {  	[dreg:$0x3] =	wrdreg s6  }
0xab: {  	[dreg:$0x4] =	wrdreg $0xC0  }
0xac: {  	_ =	task [dreg:s8], $0x5FFFF  }
0xad: {  	[dreg:$0x1] =	wrdreg $0xFFFFFFFF  }
0xae: {  	[dreg:$0x0] =	wrdreg $0x60  }
0xaf: {  	[dreg:$0x2] =	wrdreg s2  }
0xb0: {  	[dreg:$0x3] =	wrdreg s24  }
0xb1: {  	[dreg:$0x4] =	wrdreg s18  }
0xb2: {  	[dreg:$0x5] =	wrdreg $0xA0000  }
0xb3: {  	[dreg:$0x6] =	wrdreg $0x1E0000  }
0xb4: {  	[dreg:$0x7] =	wrdreg $0x9  }
0xb5: {  	_ =	task.clear_ibuf [dreg:s8], $0x8FFFF;
	_ =	strace $0x90000046  }
0xb6: {  	s29 =	simm.s32 $0x9;
	_ =	strace $0x80000048  }
0xb7: {  	_ =	swait.ge [sflag:s29], $0x1  }
0xb8: {  	[sflag:s29] =	ssyncadd.s32 $0xFFFFFFFF  }
0xb9: {  	_ =	strace $0x90000048  }
0xba: {  	_ =	sfence  }
0xbb: {  	s30 =	sld [smem:$0x0];
	_ =	sdelay $0x2  }
0xbc: {  	s31 =	sshll.u32 s1, $0xD;
	s1 =	sshrl.u32 s1, $0x2  }
0xbd: {  	s3 =	sand.u32 $0x4000, s31;
	s1 =	sadd.s32 s1, s30  }
0xbe: {  	s0 =	sor.u32 s3, s0;
	s1 =	sshll.u32 s1, $0x11  }
0xbf: {  	s0 =	sor.u32 s1, s0  }
0xc0: {  	s0 =	sadd.s32 $0x8F2B, s0  }
0xc1: {  	[sflag:s0] =	ssyncadd.remote.s32 $0x1  }
0xc2: {  	_ =	sfence.sel $0xFFFF  }
0xc3: {  	[dreg:$0x0] =	wrdreg $0xFFFFFFFF;
	(pc) =	sbr.abs _section_cstart, $3  }
0xc4: {  	[dreg:$0x1] =	wrdreg $0xFFFFFFFF  }
0xc5: {  	_ =	task.clear_ibuf [dreg:s8], $0x2FFFF;
	_ =	strace $0x9FFFFFFF  }
0xc6: {  	(tm) =	ssettm $0x7FFFFFFF  }
0xc7: {  	_ =	shalt  }
tec
execute0_lowered:
.L_overlay_start_1:
0x0: {  	(tag) =	ssettag $0x1  }
0x1: {  	s1 =	rddreg [dreg:$0x0]  }
0x2: {  	s0 =	rddreg [dreg:$0x1]  }
0x3: {  	s3 =	rddreg [dreg:$0x3]  }
0x4: {  	s5 =	rddreg [dreg:$0x4];
	s2 =	simm.s32 $0x0;
	s14 =	stileid.u32  }
0x5: {  	s4 =	srdreg.scid;
	s28 =	simm.s32 $0x6000;
	s29 =	simm.s32 $0x1  }
0x6: {  	s30 =	simm.s32 $0x2;
	s31 =	simm.s32 $0x5;
	s26 =	smul.u32 $0x13C0, s14  }
0x7: {  	[smem:$0x7FF] =	sst s2;
	s4 =	sand.u32 $0x1, s4;
	s6 =	smul.u32 $0x13C00, s14  }
0x8: {  	s7 =	sadd.s32 $0x2C00, s0;
	s8 =	sadd.s32 $0xCC00, s0;
	s24 =	smul.u32 $0x5000, s14  }
0x9: {  	s12 =	sshll.u32 s14, $0x1;
	_ =	strace $0x80000047;
	s9 =	smul.u32 $0x13C000, s4  }
0xa: {  	s11 =	smul.u32 $0x13C00, s4;
	s13 =	sor.u32 s4, s12;
	s15 =	ssub.s32 $0x2, s4  }
0xb: {  	s4 =	smul.u32 $0x2800, s4;
	s10 =	sshrl.u32 s26, $0x3;
	s16 =	sshrl.u32 s15, $0x1  }
0xc: {  	s17 =	sadd.s32 s10, s0;
	s9 =	sadd.s32 s6, s9;
	s10 =	smul.u32 $0x2800, s13  }
0xd: {  	s11 =	sadd.s32 s26, s11;
	s13 =	smul.u32 $0x4F000, s14;
	s20 =	ssub.s32 s15, s16  }
0xe: {  	s16 =	sadd.s32 s26, s5;
	s26 =	sadd.s32 s4, s24;
	s24 =	simm.s32 $0x2000  }
0xf: {  	s9 =	sshrl.u32 s9, $0x3;
	s11 =	sshrl.u32 s11, $0x3;
	s17 =	sadd.s32 $0x16C00, s17  }
0x10: {  	s20 =	smax.u32 s20, $0x1;
	s18 =	sadd.s32 s9, s0;
	s0 =	sadd.s32 s11, s0  }
0x11: {  	s10 =	sshrl.u32 s10, $0x3;
	s19 =	sshrl.u32 s13, $0x2;
	s11 =	sadd.s32 s6, s3  }
0x12: {  	s21 =	sadd.s32 s7, s10;
	s22 =	sadd.s32 s8, s10;
	s15 =	sadd.s32 s19, s3  }
0x13: {  	s18 =	sadd.s32 $0x1E400, s18;
	s19 =	sadd.s32 $0x19400, s0;
	[dreg:$0x6] =	wrdreg s21  }
0x14: {  	s0 =	simm.s32 $0x0;
	[dreg:$0x7] =	wrdreg s22;
	s23 =	sadd.s32 $0x4000, s15  }
0x15: {  	s25 =	sadd.s32 $0x8000, s15;
	s14 =	sadd.s32 $0xC000, s15;
	s15 =	sadd.s32 $0x10000, s15  }
0x16: {  	s21 =	sadd.s32 $0x800, s26;
	s22 =	simm.s32 $0x6;
	[dreg:$0x8] =	wrdreg s23  }
0x17: {  	v0 =	vimm.f32 $0.0e+00;
	s26 =	simm.s32 $0x80;
	[dreg:$0x9] =	wrdreg s25;
	s25 =	simm.s32 $0x1DC00  }
.LBB2_1:
0x18: {  	s2 =	simm.s32 $0x0;
	s4 =	rddreg [dreg:$0x6]  }
0x19: {  	[tilespmem:s2], [sflag:$0x6] =	stream.linear.gather [hbm4b:s4+s2], $0x800, $0x38;
	[tilespmem:$0x1F3C0] =	vst v63  }
0x1a: {  	_ =	swait.ge [sflag:s22], $0x800  }
0x1b: {  	[sflag:s22] =	ssyncset.done $0x0  }
0x1c: {  	s6 =	simm.s32 $0x1000;
	s23 =	rddreg [dreg:$0x7];
	[sflag:s22] =	ssyncadd.s32 $0xFFFFF800  }
0x1d: {  	[tilespmem:s6], [sflag:$0x6] =	stream.linear.gather [hbm4b:s23+s2], $0x800, $0x38;
	[tilespmem:$0x1F3C0] =	vst v63  }
0x1e: {  	_ =	swait.ge [sflag:s22], $0x800  }
0x1f: {  	[sflag:s22] =	ssyncset.done $0x0  }
0x20: {  	s4 =	simm.s32 $0x200;
	s2 =	simm.s32 $0x0;
	[sflag:s22] =	ssyncadd.s32 $0xFFFFF800  }
.LBB2_2:
0x21: {  	p0 =	sne.s32 s4, $0xFE00;
	[tilespmem:s2+$0x2070] =	vst v0  }
0x22: {  	[tilespmem:s2+$0x2000] =	vst v0  }
0x23: {  	[tilespmem:s2+$0x2010] =	vst v0  }
.Ltmp0:
0x24: {  	[tilespmem:s2+$0x2020] =	vst v0;
	(pc) =	sbr.rel @p0 .LBB2_2-.Ltmp0, $4  }
0x25: {  	[tilespmem:s2+$0x2030] =	vst v0  }
0x26: {  	[tilespmem:s2+$0x2040] =	vst v0  }
0x27: {  	[tilespmem:s2+$0x2050] =	vst v0  }
0x28: {  	[tilespmem:s2+$0x2060] =	vst v0;
	s2 =	sshra.s32 s4, $0x2;
	s4 =	sadd.s32 $0x200, s4  }
0x29: {  	[tilespmem:s2+$0x2070] =	vst v0  }
0x2a: {  	[tilespmem:s2+$0x2000] =	vst v0  }
0x2b: {  	[tilespmem:s2+$0x2010] =	vst v0  }
0x2c: {  	[tilespmem:s2+$0x2020] =	vst v0  }
0x2d: {  	[tilespmem:s2+$0x2030] =	vst v0  }
0x2e: {  	[tilespmem:s2+$0x2040] =	vst v0  }
0x2f: {  	[tilespmem:s2+$0x2050] =	vst v0  }
0x30: {  	[tilespmem:s2+$0x2060] =	vst v0  }
0x31: {  	[spmem:s11] =	stream.linear.scatter [tilespmem:s24], [sflag:$0x6], $0x4000, $0x38;
	[tilespmem:$0x1F3C0] =	vst v63  }
0x32: {  	_ =	swait.ge [sflag:s22], $0x4000  }
0x33: {  	[sflag:s22] =	ssyncset.done $0x0  }
0x34: {  	s10 =	rddreg [dreg:$0x8];
	[sflag:s22] =	ssyncadd.s32 $0xFFFFC000  }
0x35: {  	[spmem:s10] =	stream.linear.scatter [tilespmem:s24], [sflag:$0x6], $0x4000, $0x38;
	[tilespmem:$0x1F3C0] =	vst v63  }
0x36: {  	_ =	swait.ge [sflag:s22], $0x4000  }
0x37: {  	[sflag:s22] =	ssyncset.done $0x0  }
0x38: {  	s12 =	rddreg [dreg:$0x9];
	[sflag:s22] =	ssyncadd.s32 $0xFFFFC000  }
0x39: {  	[spmem:s12] =	stream.linear.scatter [tilespmem:s24], [sflag:$0x6], $0x4000, $0x38;
	[tilespmem:$0x1F3C0] =	vst v63  }
0x3a: {  	_ =	swait.ge [sflag:s22], $0x4000  }
0x3b: {  	[sflag:s22] =	ssyncset.done $0x0  }
0x3c: {  	[sflag:s22] =	ssyncadd.s32 $0xFFFFC000  }
0x3d: {  	[spmem:s14] =	stream.linear.scatter [tilespmem:s24], [sflag:$0x6], $0x4000, $0x38;
	[tilespmem:$0x1F3C0] =	vst v63  }
0x3e: {  	_ =	swait.ge [sflag:s22], $0x4000  }
0x3f: {  	[sflag:s22] =	ssyncset.done $0x0  }
0x40: {  	[sflag:s22] =	ssyncadd.s32 $0xFFFFC000  }
0x41: {  	[spmem:s15] =	stream.linear.scatter [tilespmem:s24], [sflag:$0x6], $0x3C00, $0x38;
	[tilespmem:$0x1F3C0] =	vst v63  }
0x42: {  	_ =	swait.ge [sflag:s22], $0x3C00  }
0x43: {  	[sflag:s22] =	ssyncset.done $0x0  }
0x44: {  	[sflag:s22] =	ssyncadd.s32 $0xFFFFC400  }
0x45: {  	s4 =	simm.s32 $0x0;
	s13 =	rddreg [dreg:$0x2]  }
0x46: {  	[tilespmem:s25], [sflag:$0x6] =	stream.linear.gather [hbm4b:s13+s4], $0x400, $0x38;
	[tilespmem:$0x1F3C0] =	vst v63  }
0x47: {  	s23 =	stileid.u32;
	_ =	swait.ge [sflag:s22], $0x400  }
0x48: {  	s2 =	sshll.u32 s23, $0x6;
	[sflag:s22] =	ssyncset.done $0x0  }
0x49: {  	s23 =	sshrl.u32 s16, $0x3;
	s2 =	sor.u32 $0x1C06, s2;
	[sflag:s22] =	ssyncadd.s32 $0xFFFFFC00  }
0x4a: {  	[spmem:s23], [sflag:s2] =	dma.local [hbm:s17], $0x278  }
0x4b: {  	_ =	swait.ge [sflag:s22], $0x278  }
0x4c: {  	[sflag:s22] =	ssyncset.done $0x0  }
0x4d: {  	[sflag:s22] =	ssyncadd.s32 $0xFFFFFD88  }
0x4e: {  	[bflag:$0x0] =	sbarrier.arrive $0xFFFF  }
.LBB2_4:
0x4f: {  	p0 =	seq.s32 s4, $0x2000  }
0x50: {  	s9 =	sadd.s32 @!p0 s4, s21  }
0x51: {  	s6 =	sand.u32 @!p0 $0x800, s4;
	s9 =	sshrl.u32 @!p0 s9, $0x3  }
0x52: {  	s13 =	simm.s32 @!p0 $0x0;
	s10 =	sxor.u32 @!p0 $0x800, s6;
	s12 =	sadd.s32 @!p0 s7, s9  }
0x53: {  	[tilespmem:s10], [sflag:$0x3] =	stream.linear.gather @!p0 [hbm4b:s12+s13], $0x800, $0x38;
	[tilespmem:$0x1F3C0] =	vst v63  }
0x54: {  	s9 =	sadd.s32 @!p0 s8, s9;
	s10 =	sor.u32 @!p0 $0x1000, s10  }
0x55: {  	[tilespmem:s10], [sflag:$0x4] =	stream.linear.gather @!p0 [hbm4b:s9+s13], $0x800, $0x38;
	[tilespmem:$0x1F3C0] =	vst v63  }
0x56: {  	s6 =	simm.s32 @p0 $0x0  }
0x57: {  	[tilespmem:s24], [sflag:$0x1] =	stream.indirect.gather [hbm4b:s1+s26], $0x80, s6, s26, $0xb8;
	[tilespmem:$0x1F3C0] =	vst v63  }
0x58: {  	s10 =	sor.u32 $0x80, s6  }
0x59: {  	[tilespmem:s28], [sflag:$0x2] =	stream.indirect.gather [hbm4b:s1+s26], $0x80, s10, s26, $0xb8;
	[tilespmem:$0x1F3C0] =	vst v63  }
0x5a: {  	_ =	swait.ge [sflag:s29], $0x4000  }
0x5b: {  	[sflag:s29] =	ssyncset.done $0x0  }
0x5c: {  	s12 =	sor.u32 $0x1000, s6;
	[sflag:s29] =	ssyncadd.s32 $0xFFFFC000  }
0x5d: {  	[spmem:s3] =	stream.indirect.scatter.add.f32 [tilespmem:s24], [sflag:$0x6], $0x80, s12, s26, $0xb8;
	[tilespmem:$0x1F3C0] =	vst v63  }
0x5e: {  	_ =	swait.ge [sflag:s22], $0x4000  }
0x5f: {  	[sflag:s22] =	ssyncset.done $0x0  }
0x60: {  	s13 =	sadd.s32 $0x100, s6;
	[sflag:s22] =	ssyncadd.s32 $0xFFFFC000  }
0x61: {  	[tilespmem:s24], [sflag:$0x1] =	stream.indirect.gather [hbm4b:s1+s26], $0x80, s13, s26, $0xb8;
	[tilespmem:$0x1F3C0] =	vst v63  }
0x62: {  	_ = 	snop  }
0x63: {  	[spmem:s5] =	stream.indirect.scatter.add.f32 [tilespmem:s25], [sflag:$0x5], $0x8, s12, s26, $0xb8;
	[tilespmem:$0x1F3C0] =	vst v63  }
0x64: {  	_ =	swait.ge [sflag:s30], $0x4000  }
0x65: {  	[sflag:s30] =	ssyncset.done $0x0  }
0x66: {  	s10 =	sor.u32 $0x1080, s6;
	[sflag:s30] =	ssyncadd.s32 $0xFFFFC000  }
0x67: {  	[spmem:s3] =	stream.indirect.scatter.add.f32 [tilespmem:s28], [sflag:$0x6], $0x80, s10, s26, $0xb8;
	[tilespmem:$0x1F3C0] =	vst v63  }
0x68: {  	_ =	swait.ge [sflag:s22], $0x4000  }
0x69: {  	[sflag:s22] =	ssyncset.done $0x0  }
0x6a: {  	[sflag:s22] =	ssyncadd.s32 $0xFFFFC000  }
0x6b: {  	[spmem:s5] =	stream.indirect.scatter.add.f32 [tilespmem:s25], [sflag:$0x5], $0x8, s10, s26, $0xb8;
	[tilespmem:$0x1F3C0] =	vst v63  }
0x6c: {  	s12 =	sor.u32 $0x180, s6  }
0x6d: {  	[tilespmem:s28], [sflag:$0x2] =	stream.indirect.gather [hbm4b:s1+s26], $0x80, s12, s26, $0xb8;
	[tilespmem:$0x1F3C0] =	vst v63  }
0x6e: {  	_ =	swait.ge [sflag:s29], $0x4000  }
0x6f: {  	[sflag:s29] =	ssyncset.done $0x0  }
0x70: {  	s13 =	sadd.s32 $0x1100, s6;
	[sflag:s29] =	ssyncadd.s32 $0xFFFFC000  }
0x71: {  	[spmem:s3] =	stream.indirect.scatter.add.f32 [tilespmem:s24], [sflag:$0x6], $0x80, s13, s26, $0xb8;
	[tilespmem:$0x1F3C0] =	vst v63  }
0x72: {  	_ =	swait.ge [sflag:s22], $0x4000  }
0x73: {  	[sflag:s22] =	ssyncset.done $0x0  }
0x74: {  	s12 =	sadd.s32 $0x200, s6;
	[sflag:s22] =	ssyncadd.s32 $0xFFFFC000  }
0x75: {  	[tilespmem:s24], [sflag:$0x1] =	stream.indirect.gather [hbm4b:s1+s26], $0x80, s12, s26, $0xb8;
	[tilespmem:$0x1F3C0] =	vst v63  }
0x76: {  	_ = 	snop  }
0x77: {  	[spmem:s5] =	stream.indirect.scatter.add.f32 [tilespmem:s25], [sflag:$0x5], $0x8, s13, s26, $0xb8;
	[tilespmem:$0x1F3C0] =	vst v63  }
0x78: {  	_ =	swait.ge [sflag:s30], $0x4000  }
0x79: {  	[sflag:s30] =	ssyncset.done $0x0  }
0x7a: {  	s13 =	sor.u32 $0x1180, s6;
	[sflag:s30] =	ssyncadd.s32 $0xFFFFC000  }
0x7b: {  	[spmem:s3] =	stream.indirect.scatter.add.f32 [tilespmem:s28], [sflag:$0x6], $0x80, s13, s26, $0xb8;
	[tilespmem:$0x1F3C0] =	vst v63  }
0x7c: {  	_ =	swait.ge [sflag:s22], $0x4000  }
0x7d: {  	[sflag:s22] =	ssyncset.done $0x0  }
0x7e: {  	[sflag:s22] =	ssyncadd.s32 $0xFFFFC000  }
0x7f: {  	[spmem:s5] =	stream.indirect.scatter.add.f32 [tilespmem:s25], [sflag:$0x5], $0x8, s13, s26, $0xb8;
	[tilespmem:$0x1F3C0] =	vst v63  }
0x80: {  	s10 =	sor.u32 $0x280, s6  }
0x81: {  	[tilespmem:s28], [sflag:$0x2] =	stream.indirect.gather [hbm4b:s1+s26], $0x80, s10, s26, $0xb8;
	[tilespmem:$0x1F3C0] =	vst v63  }
0x82: {  	_ =	swait.ge [sflag:s29], $0x4000  }
0x83: {  	[sflag:s29] =	ssyncset.done $0x0  }
0x84: {  	s12 =	sadd.s32 $0x1200, s6;
	[sflag:s29] =	ssyncadd.s32 $0xFFFFC000  }
0x85: {  	[spmem:s3] =	stream.indirect.scatter.add.f32 [tilespmem:s24], [sflag:$0x6], $0x80, s12, s26, $0xb8;
	[tilespmem:$0x1F3C0] =	vst v63  }
0x86: {  	_ =	swait.ge [sflag:s22], $0x4000  }
0x87: {  	[sflag:s22] =	ssyncset.done $0x0  }
0x88: {  	s13 =	sadd.s32 $0x300, s6;
	[sflag:s22] =	ssyncadd.s32 $0xFFFFC000  }
0x89: {  	[tilespmem:s24], [sflag:$0x1] =	stream.indirect.gather [hbm4b:s1+s26], $0x80, s13, s26, $0xb8;
	[tilespmem:$0x1F3C0] =	vst v63  }
0x8a: {  	_ = 	snop  }
0x8b: {  	[spmem:s5] =	stream.indirect.scatter.add.f32 [tilespmem:s25], [sflag:$0x5], $0x8, s12, s26, $0xb8;
	[tilespmem:$0x1F3C0] =	vst v63  }
0x8c: {  	_ =	swait.ge [sflag:s30], $0x4000  }
0x8d: {  	[sflag:s30] =	ssyncset.done $0x0  }
0x8e: {  	s10 =	sor.u32 $0x1280, s6;
	[sflag:s30] =	ssyncadd.s32 $0xFFFFC000  }
0x8f: {  	[spmem:s3] =	stream.indirect.scatter.add.f32 [tilespmem:s28], [sflag:$0x6], $0x80, s10, s26, $0xb8;
	[tilespmem:$0x1F3C0] =	vst v63  }
0x90: {  	_ =	swait.ge [sflag:s22], $0x4000  }
0x91: {  	[sflag:s22] =	ssyncset.done $0x0  }
0x92: {  	[sflag:s22] =	ssyncadd.s32 $0xFFFFC000  }
0x93: {  	[spmem:s5] =	stream.indirect.scatter.add.f32 [tilespmem:s25], [sflag:$0x5], $0x8, s10, s26, $0xb8;
	[tilespmem:$0x1F3C0] =	vst v63  }
0x94: {  	s12 =	sor.u32 $0x380, s6  }
0x95: {  	[tilespmem:s28], [sflag:$0x2] =	stream.indirect.gather [hbm4b:s1+s26], $0x80, s12, s26, $0xb8;
	[tilespmem:$0x1F3C0] =	vst v63  }
0x96: {  	_ =	swait.ge [sflag:s29], $0x4000  }
0x97: {  	[sflag:s29] =	ssyncset.done $0x0  }
0x98: {  	s13 =	sadd.s32 $0x1300, s6;
	[sflag:s29] =	ssyncadd.s32 $0xFFFFC000  }
0x99: {  	[spmem:s3] =	stream.indirect.scatter.add.f32 [tilespmem:s24], [sflag:$0x6], $0x80, s13, s26, $0xb8;
	[tilespmem:$0x1F3C0] =	vst v63  }
0x9a: {  	_ =	swait.ge [sflag:s22], $0x4000  }
0x9b: {  	[sflag:s22] =	ssyncset.done $0x0  }
0x9c: {  	s12 =	sadd.s32 $0x400, s6;
	[sflag:s22] =	ssyncadd.s32 $0xFFFFC000  }
0x9d: {  	[tilespmem:s24], [sflag:$0x1] =	stream.indirect.gather [hbm4b:s1+s26], $0x80, s12, s26, $0xb8;
	[tilespmem:$0x1F3C0] =	vst v63  }
0x9e: {  	_ = 	snop  }
0x9f: {  	[spmem:s5] =	stream.indirect.scatter.add.f32 [tilespmem:s25], [sflag:$0x5], $0x8, s13, s26, $0xb8;
	[tilespmem:$0x1F3C0] =	vst v63  }
0xa0: {  	_ =	swait.ge [sflag:s30], $0x4000  }
0xa1: {  	[sflag:s30] =	ssyncset.done $0x0  }
0xa2: {  	s13 =	sor.u32 $0x1380, s6;
	[sflag:s30] =	ssyncadd.s32 $0xFFFFC000  }
0xa3: {  	[spmem:s3] =	stream.indirect.scatter.add.f32 [tilespmem:s28], [sflag:$0x6], $0x80, s13, s26, $0xb8;
	[tilespmem:$0x1F3C0] =	vst v63  }
0xa4: {  	_ =	swait.ge [sflag:s22], $0x4000  }
0xa5: {  	[sflag:s22] =	ssyncset.done $0x0  }
0xa6: {  	[sflag:s22] =	ssyncadd.s32 $0xFFFFC000  }
0xa7: {  	[spmem:s5] =	stream.indirect.scatter.add.f32 [tilespmem:s25], [sflag:$0x5], $0x8, s13, s26, $0xb8;
	[tilespmem:$0x1F3C0] =	vst v63  }
0xa8: {  	s10 =	sor.u32 $0x480, s6  }
0xa9: {  	[tilespmem:s28], [sflag:$0x2] =	stream.indirect.gather [hbm4b:s1+s26], $0x80, s10, s26, $0xb8;
	[tilespmem:$0x1F3C0] =	vst v63  }
0xaa: {  	_ =	swait.ge [sflag:s29], $0x4000  }
0xab: {  	[sflag:s29] =	ssyncset.done $0x0  }
0xac: {  	s12 =	sadd.s32 $0x1400, s6;
	[sflag:s29] =	ssyncadd.s32 $0xFFFFC000  }
0xad: {  	[spmem:s3] =	stream.indirect.scatter.add.f32 [tilespmem:s24], [sflag:$0x6], $0x80, s12, s26, $0xb8;
	[tilespmem:$0x1F3C0] =	vst v63  }
0xae: {  	_ =	swait.ge [sflag:s22], $0x4000  }
0xaf: {  	[sflag:s22] =	ssyncset.done $0x0  }
0xb0: {  	s13 =	sadd.s32 $0x500, s6;
	[sflag:s22] =	ssyncadd.s32 $0xFFFFC000  }
0xb1: {  	[tilespmem:s24], [sflag:$0x1] =	stream.indirect.gather [hbm4b:s1+s26], $0x80, s13, s26, $0xb8;
	[tilespmem:$0x1F3C0] =	vst v63  }
0xb2: {  	_ = 	snop  }
0xb3: {  	[spmem:s5] =	stream.indirect.scatter.add.f32 [tilespmem:s25], [sflag:$0x5], $0x8, s12, s26, $0xb8;
	[tilespmem:$0x1F3C0] =	vst v63  }
0xb4: {  	_ =	swait.ge [sflag:s30], $0x4000  }
0xb5: {  	[sflag:s30] =	ssyncset.done $0x0  }
0xb6: {  	s10 =	sor.u32 $0x1480, s6;
	[sflag:s30] =	ssyncadd.s32 $0xFFFFC000  }
0xb7: {  	[spmem:s3] =	stream.indirect.scatter.add.f32 [tilespmem:s28], [sflag:$0x6], $0x80, s10, s26, $0xb8;
	[tilespmem:$0x1F3C0] =	vst v63  }
0xb8: {  	_ =	swait.ge [sflag:s22], $0x4000  }
0xb9: {  	[sflag:s22] =	ssyncset.done $0x0  }
0xba: {  	[sflag:s22] =	ssyncadd.s32 $0xFFFFC000  }
0xbb: {  	[spmem:s5] =	stream.indirect.scatter.add.f32 [tilespmem:s25], [sflag:$0x5], $0x8, s10, s26, $0xb8;
	[tilespmem:$0x1F3C0] =	vst v63  }
0xbc: {  	s12 =	sor.u32 $0x580, s6  }
0xbd: {  	[tilespmem:s28], [sflag:$0x2] =	stream.indirect.gather [hbm4b:s1+s26], $0x80, s12, s26, $0xb8;
	[tilespmem:$0x1F3C0] =	vst v63  }
0xbe: {  	_ =	swait.ge [sflag:s29], $0x4000  }
0xbf: {  	[sflag:s29] =	ssyncset.done $0x0  }
0xc0: {  	s13 =	sadd.s32 $0x1500, s6;
	[sflag:s29] =	ssyncadd.s32 $0xFFFFC000  }
0xc1: {  	[spmem:s3] =	stream.indirect.scatter.add.f32 [tilespmem:s24], [sflag:$0x6], $0x80, s13, s26, $0xb8;
	[tilespmem:$0x1F3C0] =	vst v63  }
0xc2: {  	_ =	swait.ge [sflag:s22], $0x4000  }
0xc3: {  	[sflag:s22] =	ssyncset.done $0x0  }
0xc4: {  	s12 =	sadd.s32 $0x600, s6;
	[sflag:s22] =	ssyncadd.s32 $0xFFFFC000  }
0xc5: {  	[tilespmem:s24], [sflag:$0x1] =	stream.indirect.gather [hbm4b:s1+s26], $0x80, s12, s26, $0xb8;
	[tilespmem:$0x1F3C0] =	vst v63  }
0xc6: {  	_ = 	snop  }
0xc7: {  	[spmem:s5] =	stream.indirect.scatter.add.f32 [tilespmem:s25], [sflag:$0x5], $0x8, s13, s26, $0xb8;
	[tilespmem:$0x1F3C0] =	vst v63  }
0xc8: {  	_ =	swait.ge [sflag:s30], $0x4000  }
0xc9: {  	[sflag:s30] =	ssyncset.done $0x0  }
0xca: {  	s13 =	sor.u32 $0x1580, s6;
	[sflag:s30] =	ssyncadd.s32 $0xFFFFC000  }
0xcb: {  	[spmem:s3] =	stream.indirect.scatter.add.f32 [tilespmem:s28], [sflag:$0x6], $0x80, s13, s26, $0xb8;
	[tilespmem:$0x1F3C0] =	vst v63  }
0xcc: {  	_ =	swait.ge [sflag:s22], $0x4000  }
0xcd: {  	[sflag:s22] =	ssyncset.done $0x0  }
0xce: {  	[sflag:s22] =	ssyncadd.s32 $0xFFFFC000  }
0xcf: {  	[spmem:s5] =	stream.indirect.scatter.add.f32 [tilespmem:s25], [sflag:$0x5], $0x8, s13, s26, $0xb8;
	[tilespmem:$0x1F3C0] =	vst v63  }
0xd0: {  	s10 =	sor.u32 $0x680, s6  }
0xd1: {  	[tilespmem:s28], [sflag:$0x2] =	stream.indirect.gather [hbm4b:s1+s26], $0x80, s10, s26, $0xb8;
	[tilespmem:$0x1F3C0] =	vst v63  }
0xd2: {  	_ =	swait.ge [sflag:s29], $0x4000  }
0xd3: {  	[sflag:s29] =	ssyncset.done $0x0  }
0xd4: {  	s12 =	sadd.s32 $0x1600, s6;
	[sflag:s29] =	ssyncadd.s32 $0xFFFFC000  }
0xd5: {  	[spmem:s3] =	stream.indirect.scatter.add.f32 [tilespmem:s24], [sflag:$0x6], $0x80, s12, s26, $0xb8;
	[tilespmem:$0x1F3C0] =	vst v63  }
0xd6: {  	_ =	swait.ge [sflag:s22], $0x4000  }
0xd7: {  	[sflag:s22] =	ssyncset.done $0x0  }
0xd8: {  	s13 =	sadd.s32 $0x700, s6;
	[sflag:s22] =	ssyncadd.s32 $0xFFFFC000  }
0xd9: {  	[tilespmem:s24], [sflag:$0x1] =	stream.indirect.gather [hbm4b:s1+s26], $0x80, s13, s26, $0xb8;
	[tilespmem:$0x1F3C0] =	vst v63  }
0xda: {  	_ = 	snop  }
0xdb: {  	[spmem:s5] =	stream.indirect.scatter.add.f32 [tilespmem:s25], [sflag:$0x5], $0x8, s12, s26, $0xb8;
	[tilespmem:$0x1F3C0] =	vst v63  }
0xdc: {  	_ =	swait.ge [sflag:s30], $0x4000  }
0xdd: {  	[sflag:s30] =	ssyncset.done $0x0  }
0xde: {  	s10 =	sor.u32 $0x1680, s6;
	[sflag:s30] =	ssyncadd.s32 $0xFFFFC000  }
0xdf: {  	[spmem:s3] =	stream.indirect.scatter.add.f32 [tilespmem:s28], [sflag:$0x6], $0x80, s10, s26, $0xb8;
	[tilespmem:$0x1F3C0] =	vst v63  }
0xe0: {  	_ =	swait.ge [sflag:s22], $0x4000  }
0xe1: {  	[sflag:s22] =	ssyncset.done $0x0  }
0xe2: {  	[sflag:s22] =	ssyncadd.s32 $0xFFFFC000  }
0xe3: {  	[spmem:s5] =	stream.indirect.scatter.add.f32 [tilespmem:s25], [sflag:$0x5], $0x8, s10, s26, $0xb8;
	[tilespmem:$0x1F3C0] =	vst v63  }
0xe4: {  	s12 =	sor.u32 $0x780, s6  }
0xe5: {  	[tilespmem:s28], [sflag:$0x2] =	stream.indirect.gather [hbm4b:s1+s26], $0x80, s12, s26, $0xb8;
	[tilespmem:$0x1F3C0] =	vst v63  }
0xe6: {  	_ =	swait.ge [sflag:s29], $0x4000  }
0xe7: {  	[sflag:s29] =	ssyncset.done $0x0  }
0xe8: {  	s13 =	sadd.s32 $0x1700, s6;
	[sflag:s29] =	ssyncadd.s32 $0xFFFFC000  }
0xe9: {  	[spmem:s3] =	stream.indirect.scatter.add.f32 [tilespmem:s24], [sflag:$0x6], $0x80, s13, s26, $0xb8;
	[tilespmem:$0x1F3C0] =	vst v63  }
0xea: {  	_ =	swait.ge [sflag:s22], $0x4000  }
0xeb: {  	[sflag:s22] =	ssyncset.done $0x0  }
0xec: {  	[sflag:s22] =	ssyncadd.s32 $0xFFFFC000  }
0xed: {  	[spmem:s5] =	stream.indirect.scatter.add.f32 [tilespmem:s25], [sflag:$0x5], $0x8, s13, s26, $0xb8;
	[tilespmem:$0x1F3C0] =	vst v63  }
0xee: {  	_ =	swait.ge [sflag:s30], $0x4000  }
0xef: {  	[sflag:s30] =	ssyncset.done $0x0  }
0xf0: {  	s6 =	sor.u32 $0x1780, s6;
	[sflag:s30] =	ssyncadd.s32 $0xFFFFC000  }
0xf1: {  	[spmem:s3] =	stream.indirect.scatter.add.f32 [tilespmem:s28], [sflag:$0x6], $0x80, s6, s26, $0xb8;
	[tilespmem:$0x1F3C0] =	vst v63  }
0xf2: {  	_ =	swait.ge [sflag:s22], $0x4000  }
0xf3: {  	[sflag:s22] =	ssyncset.done $0x0  }
0xf4: {  	[sflag:s22] =	ssyncadd.s32 $0xFFFFC000  }
0xf5: {  	[spmem:s5] =	stream.indirect.scatter.add.f32 [tilespmem:s25], [sflag:$0x5], $0x8, s6, s26, $0xb8;
	[tilespmem:$0x1F3C0] =	vst v63  }
0xf6: {  	_ =	swait.ge [sflag:s31], $0x400  }
0xf7: {  	[sflag:s31] =	ssyncset.done $0x0  }
0xf8: {  	[sflag:s31] =	ssyncadd.s32 $0xFFFFFC00  }
0xf9: {  	_ =	swait.ge [sflag:s31], $0x400  }
0xfa: {  	[sflag:s31] =	ssyncset.done $0x0  }
0xfb: {  	[sflag:s31] =	ssyncadd.s32 $0xFFFFFC00  }
0xfc: {  	_ =	swait.ge [sflag:s31], $0x400  }
0xfd: {  	[sflag:s31] =	ssyncset.done $0x0  }
0xfe: {  	[sflag:s31] =	ssyncadd.s32 $0xFFFFFC00  }
0xff: {  	_ =	swait.ge [sflag:s31], $0x400  }
0x100: {  	[sflag:s31] =	ssyncset.done $0x0  }
0x101: {  	[sflag:s31] =	ssyncadd.s32 $0xFFFFFC00  }
0x102: {  	_ =	swait.ge [sflag:s31], $0x400  }
0x103: {  	[sflag:s31] =	ssyncset.done $0x0  }
0x104: {  	[sflag:s31] =	ssyncadd.s32 $0xFFFFFC00  }
0x105: {  	_ =	swait.ge [sflag:s31], $0x400  }
0x106: {  	[sflag:s31] =	ssyncset.done $0x0  }
0x107: {  	[sflag:s31] =	ssyncadd.s32 $0xFFFFFC00  }
0x108: {  	_ =	swait.ge [sflag:s31], $0x400  }
0x109: {  	[sflag:s31] =	ssyncset.done $0x0  }
0x10a: {  	[sflag:s31] =	ssyncadd.s32 $0xFFFFFC00  }
0x10b: {  	_ =	swait.ge [sflag:s31], $0x400  }
0x10c: {  	[sflag:s31] =	ssyncset.done $0x0  }
0x10d: {  	[sflag:s31] =	ssyncadd.s32 $0xFFFFFC00  }
0x10e: {  	_ =	swait.ge [sflag:s31], $0x400  }
0x10f: {  	[sflag:s31] =	ssyncset.done $0x0  }
0x110: {  	[sflag:s31] =	ssyncadd.s32 $0xFFFFFC00  }
0x111: {  	_ =	swait.ge [sflag:s31], $0x400  }
0x112: {  	[sflag:s31] =	ssyncset.done $0x0  }
0x113: {  	[sflag:s31] =	ssyncadd.s32 $0xFFFFFC00  }
0x114: {  	_ =	swait.ge [sflag:s31], $0x400  }
0x115: {  	[sflag:s31] =	ssyncset.done $0x0  }
0x116: {  	[sflag:s31] =	ssyncadd.s32 $0xFFFFFC00  }
0x117: {  	_ =	swait.ge [sflag:s31], $0x400  }
0x118: {  	[sflag:s31] =	ssyncset.done $0x0  }
0x119: {  	[sflag:s31] =	ssyncadd.s32 $0xFFFFFC00  }
0x11a: {  	_ =	swait.ge [sflag:s31], $0x400  }
0x11b: {  	[sflag:s31] =	ssyncset.done $0x0  }
0x11c: {  	[sflag:s31] =	ssyncadd.s32 $0xFFFFFC00  }
0x11d: {  	_ =	swait.ge [sflag:s31], $0x400  }
0x11e: {  	[sflag:s31] =	ssyncset.done $0x0  }
0x11f: {  	[sflag:s31] =	ssyncadd.s32 $0xFFFFFC00  }
0x120: {  	_ =	swait.ge [sflag:s31], $0x400  }
0x121: {  	[sflag:s31] =	ssyncset.done $0x0  }
0x122: {  	[sflag:s31] =	ssyncadd.s32 $0xFFFFFC00  }
0x123: {  	_ =	swait.ge [sflag:s31], $0x400  }
0x124: {  	s4 =	sadd.s32 @!p0 $0x800, s4;
	[sflag:s31] =	ssyncset.done $0x0  }
0x125: {  	p1 =	sne.s32 @!p0 s4, $0x2800;
	s6 =	simm.s32 @!p0 $0x3;
	[sflag:s31] =	ssyncadd.s32 $0xFFFFFC00  }
0x126: {  	p1 =	por p0, !p1;
	_ =	swait.ge @!p0 [sflag:s6], $0x800  }
.Ltmp1:
0x127: {  	[sflag:s6] =	ssyncset.done @!p0 $0x0;
	(pc) =	sbr.rel @!p1 .LBB2_4-.Ltmp1, $4  }
0x128: {  	[sflag:s6] =	ssyncadd.s32 @!p0 $0xFFFFF800;
	s6 =	simm.s32 @!p0 $0x4  }
0x129: {  	_ =	swait.ge @!p0 [sflag:s6], $0x800  }
0x12a: {  	[sflag:s6] =	ssyncset.done @!p0 $0x0  }
0x12b: {  	[sflag:s6] =	ssyncadd.s32 @!p0 $0xFFFFF800  }
0x12c: {  	[bflag:$0x0] =	sbarrier.arrive $0xFFFF;
	s4 =	sshrl.u32 s11, $0x3  }
0x12d: {  	[hbm:s18], [sflag:s2] =	dma.local [spmem:s4], $0x2780  }
0x12e: {  	s0 =	sadd.s32 $0x1, s0;
	_ =	swait.ge [sflag:s22], $0x2780  }
0x12f: {  	p0 =	sne.s32 s0, s20;
	[sflag:s22] =	ssyncset.done $0x0  }
.Ltmp2:
0x130: {  	[sflag:s22] =	ssyncadd.s32 $0xFFFFD880;
	(pc) =	sbr.rel @p0 .LBB2_1-.Ltmp2, $4  }
0x131: {  	[hbm:s19], [sflag:s2] =	dma.local [spmem:s23], $0x278  }
0x132: {  	_ =	swait.ge [sflag:s22], $0x278  }
0x133: {  	[sflag:s22] =	ssyncset.done $0x0  }
0x134: {  	[sflag:s22] =	ssyncadd.s32 $0xFFFFFD88  }
0x135: {  	_ =	sfence.sel $0x180000  }
0x136: {  	[bflag:$0x0] =	sbarrier.arrive $0xFFFF  }
0x137: {  	_ =	strace $0x90000047  }
0x138: {  	s0 =	stileid.u32;
	[bflag:$0x2] =	sbarrier.arrive $0xFFFF  }
0x139: {  	p0 =	sne.s32 s0, $0x0;
	s0 =	rddreg [dreg:$0x5]  }
0x13a: {  	s0 =	sadd.s32 @!p0 $0x100000, s0  }
0x13b: {  	[sflag:s0] =	ssyncadd.tile.s32 @!p0 $0x1;
	_ =	shalt  }
.Lfunc_end2:
_tile_overlayer_lowered:
.L_overlay_start_2:
0x13c: {  	(tag) =	ssettag $0x2  }
0x13d: {  	s0 =	rddreg [dreg:$0x0];
	s2 =	stileid.u32  }
0x13e: {  	s1 =	rddreg [dreg:$0x1];
	p0 =	sne.s32 s2, $0x0  }
0x13f: {  	s3 =	rddreg [dreg:$0x2];
	[bflag:$0x3] =	sbarrier.arrive $0xFFFF;
	s2 =	simm.s32 @!p0 $0x1C06  }
0x140: {  	[timem:s3], [sflag:s2] =	dma.local @!p0 [hbm:s0], s1  }
0x141: {  	s0 =	simm.s32 @!p0 $0x6  }
0x142: {  	_ =	swait.ge @!p0 [sflag:s0], s1  }
0x143: {  	s1 =	ssub.s32 @!p0 $0x0, s1;
	[sflag:s0] =	ssyncset.done @!p0 $0x0  }
0x144: {  	[sflag:s0] =	ssyncadd.s32 @!p0 s1  }
0x145: {  	[bflag:$0x3] =	sbarrier.arrive $0xFFFF  }
0x146: {  	_ =	shalt  }

</sc_bundles>
